<compile_context>
chip_gen: v7x
topology: tpu7x:2x2x1
jax: 0.10.2.dev20260603
libtpu: 0.0.44.dev20260713+nightly
codegen_flags: <defaults>
</compile_context>

<pallas_src>
import functools

import jax
import jax.numpy as jnp
from jax import lax
from jax.experimental import pallas as pl
from jax.experimental.pallas import tpu as pltpu
from jax.experimental.pallas import tpu_sc as plsc

_C = 768
_E = 64
_T = 2048
_H = 3072
_R = 64
_PAD = _T + _E * _R
_NBLK = _PAD // _R

_F32 = jnp.float32


def _dot(a, b, precision):
    return lax.dot_general(a, b, (((1,), (0,)), ((), ())),
                           precision=precision,
                           preferred_element_type=_F32)


def _route_kernel(x_ref, wrn_ref, brn_ref, noise_ref, pos_ref, be_ref):
    x = x_ref[...]
    both = _dot(x, wrn_ref[...], lax.Precision.DEFAULT) + brn_ref[...]
    logits = both[:, :_E]
    nl = both[:, _E:]
    noisy = logits + noise_ref[...] * jnp.logaddexp(nl, 0.0)

    m = jnp.max(noisy, axis=1, keepdims=True)
    colid = lax.broadcasted_iota(jnp.int32, (_T, _E), 1)
    eid = jnp.min(jnp.where(noisy == m, colid, _E), axis=1, keepdims=True)
    onehot = (colid == eid).astype(_F32)

    cnt = jnp.sum(onehot, axis=0, keepdims=True)
    padded = jnp.ceil(cnt / _R) * _R
    ei = lax.broadcasted_iota(jnp.int32, (_E, _E), 0)
    ej = lax.broadcasted_iota(jnp.int32, (_E, _E), 1)
    tri = (ei < ej).astype(_F32)
    poff = _dot(padded, tri, lax.Precision.HIGHEST)

    ch = 256
    nch = _T // ch
    ci = lax.broadcasted_iota(jnp.int32, (ch, ch), 0)
    cj = lax.broadcasted_iota(jnp.int32, (ch, ch), 1)
    ltri = (cj < ci).astype(_F32)
    hists = jnp.concatenate(
        [jnp.sum(onehot[c * ch:(c + 1) * ch, :], axis=0, keepdims=True)
         for c in range(nch)], axis=0)
    bi = lax.broadcasted_iota(jnp.int32, (nch, nch), 0)
    bj = lax.broadcasted_iota(jnp.int32, (nch, nch), 1)
    btri = (bj < bi).astype(_F32)
    base = _dot(btri, hists, lax.Precision.HIGHEST)
    pos_chunks = []
    for c in range(nch):
        oc = onehot[c * ch:(c + 1) * ch, :]
        rank = _dot(ltri, oc, lax.Precision.DEFAULT) + base[c:c + 1, :]
        pos_chunks.append(
            jnp.sum((rank + poff) * oc, axis=1, keepdims=True))
    pos_ref[...] = jnp.concatenate(pos_chunks, axis=0).astype(jnp.int32)

    gi = lax.broadcasted_iota(jnp.int32, (_NBLK, _E), 0)
    owned = (poff <= (gi * _R).astype(_F32)).astype(jnp.int32)
    owner = jnp.sum(owned, axis=1, keepdims=True) - 1
    used = (jnp.sum(padded, axis=1, keepdims=True) / _R).astype(jnp.int32)
    be_ref[...] = jnp.concatenate([owner, used], axis=0)


def _route(x_flat, W_r, b_r, W_n, b_n, noise_flat):
    W_rn = jnp.concatenate([W_r, W_n], axis=1)
    b_rn = jnp.concatenate([b_r, b_n]).reshape(1, 2 * _E)
    return pl.pallas_call(
        _route_kernel,
        out_shape=(
            jax.ShapeDtypeStruct((_T, 1), jnp.int32),
            jax.ShapeDtypeStruct((_NBLK + 1, 1), jnp.int32),
        ),
    )(x_flat, W_rn, b_rn, noise_flat)


_NC, _NS = 2, 16
_NW = _NC * _NS
_BPW = _T // _NW


def _sc_mesh():
    return plsc.VectorSubcoreMesh(core_axis_name="c", subcore_axis_name="s",
                                  num_cores=_NC, num_subcores=_NS)


def _dispatch(x_flat, pos):
    @functools.partial(
        pl.kernel,
        out_type=jax.ShapeDtypeStruct((_PAD, _C), _F32),
        mesh=_sc_mesh(),
        scratch_types=[
            pltpu.VMEM((_BPW,), jnp.int32),
            pltpu.VMEM((_BPW, _C), _F32),
            pltpu.SemaphoreType.DMA,
        ],
    )
    def scatter_k(x_hbm, pos_hbm, out_hbm, idx_v, rows_v, sem):
        wid = lax.axis_index("s") * _NC + lax.axis_index("c")
        base = wid * _BPW
        pltpu.sync_copy(pos_hbm.at[pl.ds(base, _BPW)], idx_v)
        pltpu.sync_copy(x_hbm.at[pl.ds(base, _BPW)], rows_v)
        pltpu.async_copy(rows_v, out_hbm.at[idx_v], sem).wait()

    return scatter_k(x_flat, pos)


def _combine(y_pad, pos):
    @functools.partial(
        pl.kernel,
        out_type=jax.ShapeDtypeStruct((_T, _C), _F32),
        mesh=_sc_mesh(),
        scratch_types=[
            pltpu.VMEM((_BPW,), jnp.int32),
            pltpu.VMEM((_BPW, _C), _F32),
            pltpu.SemaphoreType.DMA,
        ],
    )
    def gather_k(y_hbm, pos_hbm, out_hbm, idx_v, rows_v, sem):
        wid = lax.axis_index("s") * _NC + lax.axis_index("c")
        base = wid * _BPW
        pltpu.sync_copy(pos_hbm.at[pl.ds(base, _BPW)], idx_v)
        pltpu.async_copy(y_hbm.at[idx_v], rows_v, sem).wait()
        pltpu.sync_copy(rows_v, out_hbm.at[pl.ds(base, _BPW)])

    return gather_k(y_pad, pos)


def _ffn_kernel(be_ref, x_ref, w1_ref, b1_ref, w2_ref, b2_ref, o_ref):
    g = pl.program_id(0)

    @pl.when(g < be_ref[_NBLK])
    def _compute():
        e = be_ref[g]
        b1row = b1_ref[pl.ds(e, 1), :]
        b2row = b2_ref[pl.ds(e, 1), :]
        xblk = x_ref[pl.ds(g * _R, _R), :]
        h = _dot(xblk, w1_ref[0], lax.Precision.DEFAULT) + b1row
        h = jnp.maximum(h, 0.0)
        o_ref[...] = _dot(h, w2_ref[0], lax.Precision.DEFAULT) + b2row


def _ffn(x_sorted, block_expert, W1, b1, W2, b2):
    grid_spec = pltpu.PrefetchScalarGridSpec(
        num_scalar_prefetch=1,
        grid=(_NBLK,),
        in_specs=[
            pl.BlockSpec((_PAD, _C), lambda g, be: (0, 0)),
            pl.BlockSpec((1, _C, _H), lambda g, be: (be[g], 0, 0)),
            pl.BlockSpec((_E, _H), lambda g, be: (0, 0)),
            pl.BlockSpec((1, _H, _C), lambda g, be: (be[g], 0, 0)),
            pl.BlockSpec((_E, _C), lambda g, be: (0, 0)),
        ],
        out_specs=pl.BlockSpec((_R, _C), lambda g, be: (g, 0)),
    )
    return pl.pallas_call(
        _ffn_kernel,
        grid_spec=grid_spec,
        out_shape=jax.ShapeDtypeStruct((_PAD, _C), _F32),
        compiler_params=pltpu.CompilerParams(
            vmem_limit_bytes=100 * 1024 * 1024),
    )(block_expert, x_sorted, W1, b1, W2, b2)


def kernel(x, W_r, b_r, W_n, b_n, W1, b1, W2, b2, noise):
    Bv, Tv, C = x.shape
    x_flat = x.reshape(_T, _C)
    noise_flat = noise.reshape(_T, _E)
    pos2d, be2d = _route(x_flat, W_r, b_r, W_n, b_n, noise_flat)
    pos = pos2d.reshape(_T)
    block_expert = be2d.reshape(_NBLK + 1)
    x_sorted = _dispatch(x_flat, pos)
    y_pad = _ffn(x_sorted, block_expert, W1, b1, W2, b2)
    out = _combine(y_pad, pos)
    return out.reshape(Bv, Tv, C)

# --- scband reference (transcript-rebuilt; emitter-appended) ---
"""Pipeline reference for scband-sparse-mo-e-37658273251435 (READ-ONLY COPY).

The authoritative reference and input builder live on the scoring server;
editing this copy changes nothing except your own understanding.
"""

import jax, jax.numpy as jnp
import numpy as np

N_EMBD = 768
NUM_EXPERTS = 64
TOP_K = 1
B, T = 1, 2048


def _router(x, W_r, b_r, W_n, b_n, noise):
    logits = x @ W_r + b_r
    noise_logits = x @ W_n + b_n
    logits = logits + noise * jax.nn.softplus(noise_logits)
    top_vals, top_idx = jax.lax.top_k(logits, TOP_K)
    # softmax over sparse logits (-inf elsewhere) == softmax over top_vals scattered back
    probs = jax.nn.softmax(top_vals, axis=-1)
    rw = jnp.sum(probs[..., None] * jax.nn.one_hot(top_idx, NUM_EXPERTS, dtype=logits.dtype), axis=-2)
    return rw, top_idx


def setup_inputs(seed: int = 0):
    key = jax.random.key(seed)
    ks = jax.random.split(key, 8)
    C = N_EMBD
    H = 4 * C
    x = jax.random.normal(ks[0], (B, T, C), dtype=jnp.float32)
    W_r = jax.random.normal(ks[1], (C, NUM_EXPERTS), dtype=jnp.float32) * 0.02
    b_r = jnp.zeros((NUM_EXPERTS,), jnp.float32)
    W_n = jax.random.normal(ks[2], (C, NUM_EXPERTS), dtype=jnp.float32) * 0.02
    b_n = jnp.zeros((NUM_EXPERTS,), jnp.float32)
    W1 = jax.random.normal(ks[3], (NUM_EXPERTS, C, H), dtype=jnp.float32) * 0.02
    b1 = jnp.zeros((NUM_EXPERTS, H), jnp.float32)
    W2 = jax.random.normal(ks[4], (NUM_EXPERTS, H, C), dtype=jnp.float32) * 0.02
    b2 = jnp.zeros((NUM_EXPERTS, C), jnp.float32)
    noise = jax.random.normal(ks[5], (B, T, NUM_EXPERTS), dtype=jnp.float32)
    return {"x": x, "W_r": W_r, "b_r": b_r, "W_n": W_n, "b_n": b_n,
            "W1": W1, "b1": b1, "W2": W2, "b2": b2, "noise": noise}


def reference(x, W_r, b_r, W_n, b_n, W1, b1, W2, b2, noise):
    Bv, Tv, C = x.shape
    rw, top_idx = _router(x, W_r, b_r, W_n, b_n, noise)
    x_flat = x.reshape(-1, C)
    rw_flat = rw.reshape(-1, NUM_EXPERTS)

    def body(out, params):
        W1e, b1e, W2e, b2e, we = params
        h = jax.nn.relu(x_flat @ W1e + b1e) @ W2e + b2e
        return out + h * we[:, None], None

    out, _ = jax.lax.scan(
        body,
        jnp.zeros_like(x_flat),
        (W1, b1, W2, b2, rw_flat.T),
    )
    return out.reshape(Bv, Tv, C)

if __name__ == "__main__":
    import jax
    _d = setup_inputs()
    print(jax.jit(kernel)(*tuple(_d.values())))

</pallas_src>

<mosaic_0001>
#map = affine_map<(d0, d1) -> (0, 0)>
#map1 = affine_map<(d0, d1) -> (0)>
module attributes {stable_mosaic.version = 14 : i64} {
  func.func @scatter_k(%arg0: i32, %arg1: i32, %arg2: memref<2048x768xf32, #tpu.memory_space<hbm>>, %arg3: memref<2048xi32, #tpu.memory_space<hbm>>, %arg4: memref<6144x768xf32, #tpu.memory_space<hbm>>, %arg5: memref<64xi32, #tpu.memory_space<vmem>>, %arg6: memref<64x768xf32, #tpu.memory_space<vmem>>, %arg7: memref<!tpu.dma_semaphore, #tpu.memory_space<semaphore_mem>>) attributes {dimension_semantics = [#tpu.dimension_semantics<core_parallel>, #tpu.dimension_semantics<subcore_parallel>], iteration_bounds = array<i64: 2, 16>, scalar_prefetch = 0 : i64, scratch_operands = 3 : i64, tpu.core_type = #tpu.core_type<sc_vector_subcore>, window_params = [{transform_indices = #map}, {transform_indices = #map1}, {transform_indices = #map}]} {
    %mul3A = arith.constant 2 : i32
    %mul3A_0 = arith.muli %arg1, %mul3A : i32
    %add3A = arith.addi %mul3A_0, %arg0 : i32
    %mul3A_1 = arith.constant 64 : i32
    %mul3A_2 = arith.muli %add3A, %mul3A_1 : i32
    "tpu.region"() ({
      %run_scoped3A = tpu.sem_alloc : memref<!tpu.dma_semaphore, #tpu.memory_space<semaphore_mem>>
      %dma_start3A_7 = tpu.memref_slice %arg3[%mul3A_2] : memref<2048xi32, #tpu.memory_space<hbm>> -> memref<64xi32, #tpu.memory_space<hbm>>
      %dma_start3A_8 = tpu.memref_slice %arg3[%mul3A_2] : memref<2048xi32, #tpu.memory_space<hbm>> -> memref<64xi32, #tpu.memory_space<hbm>>
      tpu.enqueue_dma source(%dma_start3A_8 : memref<64xi32, #tpu.memory_space<hbm>>) target(%arg5 : memref<64xi32, #tpu.memory_space<vmem>>) target_semaphore(%run_scoped3A : memref<!tpu.dma_semaphore, #tpu.memory_space<semaphore_mem>>)
      %dma_wait3A_9 = tpu.memref_slice %arg3[%mul3A_2] : memref<2048xi32, #tpu.memory_space<hbm>> -> memref<64xi32, #tpu.memory_space<hbm>>
      %dma_wait3A_10 = tpu.memref_slice %arg3[%mul3A_2] : memref<2048xi32, #tpu.memory_space<hbm>> -> memref<64xi32, #tpu.memory_space<hbm>>
      tpu.wait_dma2 semaphore(%run_scoped3A : memref<!tpu.dma_semaphore, #tpu.memory_space<semaphore_mem>>) src(%dma_wait3A_10 : memref<64xi32, #tpu.memory_space<hbm>>) dst(%arg5 : memref<64xi32, #tpu.memory_space<vmem>>)
      tpu.yield
    }) : () -> ()
    "tpu.region"() ({
      %run_scoped3A = tpu.sem_alloc : memref<!tpu.dma_semaphore, #tpu.memory_space<semaphore_mem>>
      %dma_start3A_7 = arith.constant 0 : i32
      %dma_start3A_8 = tpu.memref_slice %arg2[%mul3A_2, %dma_start3A_7] : memref<2048x768xf32, #tpu.memory_space<hbm>> -> memref<64x768xf32, #tpu.memory_space<hbm>>
      %dma_start3A_9 = arith.constant 0 : i32
      %dma_start3A_10 = tpu.memref_slice %arg2[%mul3A_2, %dma_start3A_9] : memref<2048x768xf32, #tpu.memory_space<hbm>> -> memref<64x768xf32, #tpu.memory_space<hbm>>
      tpu.enqueue_dma source(%dma_start3A_10 : memref<64x768xf32, #tpu.memory_space<hbm>>) target(%arg6 : memref<64x768xf32, #tpu.memory_space<vmem>>) target_semaphore(%run_scoped3A : memref<!tpu.dma_semaphore, #tpu.memory_space<semaphore_mem>>)
      %dma_wait3A_11 = arith.constant 0 : i32
      %dma_wait3A_12 = tpu.memref_slice %arg2[%mul3A_2, %dma_wait3A_11] : memref<2048x768xf32, #tpu.memory_space<hbm>> -> memref<64x768xf32, #tpu.memory_space<hbm>>
      %dma_wait3A_13 = arith.constant 0 : i32
      %dma_wait3A_14 = tpu.memref_slice %arg2[%mul3A_2, %dma_wait3A_13] : memref<2048x768xf32, #tpu.memory_space<hbm>> -> memref<64x768xf32, #tpu.memory_space<hbm>>
      tpu.wait_dma2 semaphore(%run_scoped3A : memref<!tpu.dma_semaphore, #tpu.memory_space<semaphore_mem>>) src(%dma_wait3A_14 : memref<64x768xf32, #tpu.memory_space<hbm>>) dst(%arg6 : memref<64x768xf32, #tpu.memory_space<vmem>>)
      tpu.yield
    }) : () -> ()
    %dma_start3A = arith.constant 0 : i32
    %dma_start3A_3 = arith.constant 0 : i32
    %dma_start3A_4 = tpu.memref_slice %arg4[%dma_start3A, %dma_start3A_3] : memref<6144x768xf32, #tpu.memory_space<hbm>> -> memref<6144x768xf32, #tpu.memory_space<hbm>>
    tpu.enqueue_indirect_dma source(%arg6 : memref<64x768xf32, #tpu.memory_space<vmem>>) target(%dma_start3A_4 : memref<6144x768xf32, #tpu.memory_space<hbm>>) offsets(%arg5 : memref<64xi32, #tpu.memory_space<vmem>>) semaphore(%arg7 : memref<!tpu.dma_semaphore, #tpu.memory_space<semaphore_mem>>)
    %dma_wait3A = arith.constant 0 : i32
    %dma_wait3A_5 = arith.constant 0 : i32
    %dma_wait3A_6 = tpu.memref_slice %arg4[%dma_wait3A, %dma_wait3A_5] : memref<6144x768xf32, #tpu.memory_space<hbm>> -> memref<6144x768xf32, #tpu.memory_space<hbm>>
    tpu.wait_indirect_dma semaphore(%arg7 : memref<!tpu.dma_semaphore, #tpu.memory_space<semaphore_mem>>) src(%arg6 : memref<64x768xf32, #tpu.memory_space<vmem>>) dst(%dma_wait3A_6 : memref<6144x768xf32, #tpu.memory_space<hbm>>)
    return
  }
}

#map = affine_map<(d0, d1) -> (0, 0)>
#map1 = affine_map<(d0, d1) -> (0)>
module attributes {stable_mosaic.version = 14 : i64} {
  func.func @gather_k(%arg0: i32, %arg1: i32, %arg2: memref<6144x768xf32, #tpu.memory_space<hbm>>, %arg3: memref<2048xi32, #tpu.memory_space<hbm>>, %arg4: memref<2048x768xf32, #tpu.memory_space<hbm>>, %arg5: memref<64xi32, #tpu.memory_space<vmem>>, %arg6: memref<64x768xf32, #tpu.memory_space<vmem>>, %arg7: memref<!tpu.dma_semaphore, #tpu.memory_space<semaphore_mem>>) attributes {dimension_semantics = [#tpu.dimension_semantics<core_parallel>, #tpu.dimension_semantics<subcore_parallel>], iteration_bounds = array<i64: 2, 16>, scalar_prefetch = 0 : i64, scratch_operands = 3 : i64, tpu.core_type = #tpu.core_type<sc_vector_subcore>, window_params = [{transform_indices = #map}, {transform_indices = #map1}, {transform_indices = #map}]} {
    %mul3A = arith.constant 2 : i32
    %mul3A_0 = arith.muli %arg1, %mul3A : i32
    %add3A = arith.addi %mul3A_0, %arg0 : i32
    %mul3A_1 = arith.constant 64 : i32
    %mul3A_2 = arith.muli %add3A, %mul3A_1 : i32
    "tpu.region"() ({
      %run_scoped3A = tpu.sem_alloc : memref<!tpu.dma_semaphore, #tpu.memory_space<semaphore_mem>>
      %dma_start3A_7 = tpu.memref_slice %arg3[%mul3A_2] : memref<2048xi32, #tpu.memory_space<hbm>> -> memref<64xi32, #tpu.memory_space<hbm>>
      %dma_start3A_8 = tpu.memref_slice %arg3[%mul3A_2] : memref<2048xi32, #tpu.memory_space<hbm>> -> memref<64xi32, #tpu.memory_space<hbm>>
      tpu.enqueue_dma source(%dma_start3A_8 : memref<64xi32, #tpu.memory_space<hbm>>) target(%arg5 : memref<64xi32, #tpu.memory_space<vmem>>) target_semaphore(%run_scoped3A : memref<!tpu.dma_semaphore, #tpu.memory_space<semaphore_mem>>)
      %dma_wait3A_9 = tpu.memref_slice %arg3[%mul3A_2] : memref<2048xi32, #tpu.memory_space<hbm>> -> memref<64xi32, #tpu.memory_space<hbm>>
      %dma_wait3A_10 = tpu.memref_slice %arg3[%mul3A_2] : memref<2048xi32, #tpu.memory_space<hbm>> -> memref<64xi32, #tpu.memory_space<hbm>>
      tpu.wait_dma2 semaphore(%run_scoped3A : memref<!tpu.dma_semaphore, #tpu.memory_space<semaphore_mem>>) src(%dma_wait3A_10 : memref<64xi32, #tpu.memory_space<hbm>>) dst(%arg5 : memref<64xi32, #tpu.memory_space<vmem>>)
      tpu.yield
    }) : () -> ()
    %dma_start3A = arith.constant 0 : i32
    %dma_start3A_3 = arith.constant 0 : i32
    %dma_start3A_4 = tpu.memref_slice %arg2[%dma_start3A, %dma_start3A_3] : memref<6144x768xf32, #tpu.memory_space<hbm>> -> memref<6144x768xf32, #tpu.memory_space<hbm>>
    tpu.enqueue_indirect_dma source(%dma_start3A_4 : memref<6144x768xf32, #tpu.memory_space<hbm>>) target(%arg6 : memref<64x768xf32, #tpu.memory_space<vmem>>) offsets(%arg5 : memref<64xi32, #tpu.memory_space<vmem>>) semaphore(%arg7 : memref<!tpu.dma_semaphore, #tpu.memory_space<semaphore_mem>>)
    %dma_wait3A = arith.constant 0 : i32
    %dma_wait3A_5 = arith.constant 0 : i32
    %dma_wait3A_6 = tpu.memref_slice %arg2[%dma_wait3A, %dma_wait3A_5] : memref<6144x768xf32, #tpu.memory_space<hbm>> -> memref<6144x768xf32, #tpu.memory_space<hbm>>
    tpu.wait_indirect_dma semaphore(%arg7 : memref<!tpu.dma_semaphore, #tpu.memory_space<semaphore_mem>>) src(%dma_wait3A_6 : memref<6144x768xf32, #tpu.memory_space<hbm>>) dst(%arg6 : memref<64x768xf32, #tpu.memory_space<vmem>>)
    "tpu.region"() ({
      %run_scoped3A = tpu.sem_alloc : memref<!tpu.dma_semaphore, #tpu.memory_space<semaphore_mem>>
      %dma_start3A_7 = arith.constant 0 : i32
      %dma_start3A_8 = tpu.memref_slice %arg4[%mul3A_2, %dma_start3A_7] : memref<2048x768xf32, #tpu.memory_space<hbm>> -> memref<64x768xf32, #tpu.memory_space<hbm>>
      %dma_start3A_9 = arith.constant 0 : i32
      %dma_start3A_10 = tpu.memref_slice %arg4[%mul3A_2, %dma_start3A_9] : memref<2048x768xf32, #tpu.memory_space<hbm>> -> memref<64x768xf32, #tpu.memory_space<hbm>>
      tpu.enqueue_dma source(%arg6 : memref<64x768xf32, #tpu.memory_space<vmem>>) target(%dma_start3A_10 : memref<64x768xf32, #tpu.memory_space<hbm>>) target_semaphore(%run_scoped3A : memref<!tpu.dma_semaphore, #tpu.memory_space<semaphore_mem>>)
      %dma_wait3A_11 = arith.constant 0 : i32
      %dma_wait3A_12 = tpu.memref_slice %arg4[%mul3A_2, %dma_wait3A_11] : memref<2048x768xf32, #tpu.memory_space<hbm>> -> memref<64x768xf32, #tpu.memory_space<hbm>>
      %dma_wait3A_13 = arith.constant 0 : i32
      %dma_wait3A_14 = tpu.memref_slice %arg4[%mul3A_2, %dma_wait3A_13] : memref<2048x768xf32, #tpu.memory_space<hbm>> -> memref<64x768xf32, #tpu.memory_space<hbm>>
      tpu.wait_dma2 semaphore(%run_scoped3A : memref<!tpu.dma_semaphore, #tpu.memory_space<semaphore_mem>>) src(%arg6 : memref<64x768xf32, #tpu.memory_space<vmem>>) dst(%dma_wait3A_14 : memref<64x768xf32, #tpu.memory_space<hbm>>)
      tpu.yield
    }) : () -> ()
    return
  }
}

module attributes {stable_mosaic.version = 14 : i64} {
  func.func @_ffn_kernel(%arg0: i32, %arg1: memref<97xi32, #tpu.memory_space<smem>>, %arg2: memref<6144x768xf32, #tpu.memory_space<vmem>>, %arg3: memref<1x768x3072xf32, #tpu.memory_space<vmem>>, %arg4: memref<64x3072xf32, #tpu.memory_space<vmem>>, %arg5: memref<1x3072x768xf32, #tpu.memory_space<vmem>>, %arg6: memref<64x768xf32, #tpu.memory_space<vmem>>, %arg7: memref<64x768xf32, #tpu.memory_space<vmem>>) attributes {dimension_semantics = [#tpu.dimension_semantics<arbitrary>], iteration_bounds = array<i64: 96>, scalar_prefetch = 1 : i64, scratch_operands = 0 : i64, tpu.core_type = #tpu.core_type<tc>, window_params = [{pipeline_mode = #tpu.pipeline_mode<synchronous>, transform_indices = @transform_0, window_bounds = array<i64: 6144, 768>}, {transform_indices = @transform_1, window_bounds = array<i64: 1, 768, 3072>}, {pipeline_mode = #tpu.pipeline_mode<synchronous>, transform_indices = @transform_2, window_bounds = array<i64: 64, 3072>}, {transform_indices = @transform_3, window_bounds = array<i64: 1, 3072, 768>}, {pipeline_mode = #tpu.pipeline_mode<synchronous>, transform_indices = @transform_4, window_bounds = array<i64: 64, 768>}, {transform_indices = @transform_5, window_bounds = array<i64: 64, 768>}]} {
    %get3A = arith.constant 96 : index
    %get3A_0 = memref.load %arg1[%get3A] : memref<97xi32, #tpu.memory_space<smem>>
    %lt3A = arith.cmpi slt, %arg0, %get3A_0 : i32
    %convert_element_type3A = arith.extui %lt3A : i1 to i32
    %cond3A = arith.constant 0 : i32
    %cond3A_1 = arith.cmpi ne, %convert_element_type3A, %cond3A : i32
    scf.if %cond3A_1 {
      %get3A_2 = arith.index_cast %arg0 : i32 to index
      %get3A_3 = memref.load %arg1[%get3A_2] : memref<97xi32, #tpu.memory_space<smem>>
      %get3A_4 = arith.index_cast %get3A_3 : i32 to index
      %get3A_5 = arith.constant 0 : index
      %get3A_6 = vector.load %arg4[%get3A_4, %get3A_5] : memref<64x3072xf32, #tpu.memory_space<vmem>>, vector<1x3072xf32>
      %get3A_7 = arith.index_cast %get3A_3 : i32 to index
      %get3A_8 = arith.constant 0 : index
      %get3A_9 = vector.load %arg6[%get3A_7, %get3A_8] : memref<64x768xf32, #tpu.memory_space<vmem>>, vector<1x768xf32>
      %mul3A = arith.constant 64 : i32
      %mul3A_10 = arith.muli %arg0, %mul3A : i32
      %get3A_11 = arith.index_cast %mul3A_10 : i32 to index
      %get3A_12 = arith.constant 0 : index
      %get3A_13 = vector.load %arg2[%get3A_11, %get3A_12] : memref<6144x768xf32, #tpu.memory_space<vmem>>, vector<64x768xf32>
      %get3A_14 = arith.constant 0 : index
      %get3A_15 = arith.constant 0 : index
      %get3A_16 = arith.constant 0 : index
      %get3A_17 = vector.load %arg3[%get3A_14, %get3A_15, %get3A_16] : memref<1x768x3072xf32, #tpu.memory_space<vmem>>, vector<1x768x3072xf32>
      %get3A_18 = vector.shape_cast %get3A_17 : vector<1x768x3072xf32> to vector<768x3072xf32>
      %dot_general3A = arith.constant dense<0.000000e+00> : vector<64x3072xf32>
      %dot_general3A_19 = tpu.matmul %get3A_13, %get3A_18, %dot_general3A {dimension_numbers = #tpu.dot_dimension_numbers<[1], [0], [0], [1], [0, 0, 1, 1], [], []>, transpose_lhs_hint = false} : vector<64x768xf32>, vector<768x3072xf32>, vector<64x3072xf32> -> vector<64x3072xf32>
      %add3A = vector.broadcast %get3A_6 : vector<1x3072xf32> to vector<64x3072xf32>
      %add3A_20 = arith.addf %dot_general3A_19, %add3A : vector<64x3072xf32>
      %max3A = arith.constant 0.000000e+00 : f32
      %max3A_21 = vector.broadcast %max3A : f32 to vector<64x3072xf32>
      %max3A_22 = arith.maximumf %add3A_20, %max3A_21 : vector<64x3072xf32>
      %get3A_23 = arith.constant 0 : index
      %get3A_24 = arith.constant 0 : index
      %get3A_25 = arith.constant 0 : index
      %get3A_26 = vector.load %arg5[%get3A_23, %get3A_24, %get3A_25] : memref<1x3072x768xf32, #tpu.memory_space<vmem>>, vector<1x3072x768xf32>
      %get3A_27 = vector.shape_cast %get3A_26 : vector<1x3072x768xf32> to vector<3072x768xf32>
      %dot_general3A_28 = arith.constant dense<0.000000e+00> : vector<64x768xf32>
      %dot_general3A_29 = tpu.matmul %max3A_22, %get3A_27, %dot_general3A_28 {dimension_numbers = #tpu.dot_dimension_numbers<[1], [0], [0], [1], [0, 0, 1, 1], [], []>, transpose_lhs_hint = false} : vector<64x3072xf32>, vector<3072x768xf32>, vector<64x768xf32> -> vector<64x768xf32>
      %add3A_30 = vector.broadcast %get3A_9 : vector<1x768xf32> to vector<64x768xf32>
      %add3A_31 = arith.addf %dot_general3A_29, %add3A_30 : vector<64x768xf32>
      %swap3A = arith.constant 0 : index
      %swap3A_32 = arith.constant 0 : index
      %swap3A_33 = vector.load %arg7[%swap3A, %swap3A_32] : memref<64x768xf32, #tpu.memory_space<vmem>>, vector<64x768xf32>
      tpu.vector_store %arg7[%swap3A, %swap3A_32], %add3A_31 {strides = array<i32>} : memref<64x768xf32, #tpu.memory_space<vmem>>, vector<64x768xf32>,
    } else {
    }
    return
  }
  func.func @transform_0(%arg0: i32, %arg1: memref<97xi32, #tpu.memory_space<smem>>) -> (i32, i32) {
    %c0_i32 = arith.constant 0 : i32
    %c0_i32_0 = arith.constant 0 : i32
    %c0_i32_1 = arith.constant 0 : i32
    return %c0_i32, %c0_i32_0 : i32, i32
  }
  func.func @transform_1(%arg0: i32, %arg1: memref<97xi32, #tpu.memory_space<smem>>) -> (i32, i32, i32) {
    %get3A = arith.index_cast %arg0 : i32 to index
    %get3A_0 = memref.load %arg1[%get3A] : memref<97xi32, #tpu.memory_space<smem>>
    %c0_i32 = arith.constant 0 : i32
    %c0_i32_1 = arith.constant 0 : i32
    %c0_i32_2 = arith.constant 0 : i32
    return %get3A_0, %c0_i32, %c0_i32_1 : i32, i32, i32
  }
  func.func @transform_2(%arg0: i32, %arg1: memref<97xi32, #tpu.memory_space<smem>>) -> (i32, i32) {
    %c0_i32 = arith.constant 0 : i32
    %c0_i32_0 = arith.constant 0 : i32
    %c0_i32_1 = arith.constant 0 : i32
    return %c0_i32, %c0_i32_0 : i32, i32
  }
  func.func @transform_3(%arg0: i32, %arg1: memref<97xi32, #tpu.memory_space<smem>>) -> (i32, i32, i32) {
    %get3A = arith.index_cast %arg0 : i32 to index
    %get3A_0 = memref.load %arg1[%get3A] : memref<97xi32, #tpu.memory_space<smem>>
    %c0_i32 = arith.constant 0 : i32
    %c0_i32_1 = arith.constant 0 : i32
    %c0_i32_2 = arith.constant 0 : i32
    return %get3A_0, %c0_i32, %c0_i32_1 : i32, i32, i32
  }
  func.func @transform_4(%arg0: i32, %arg1: memref<97xi32, #tpu.memory_space<smem>>) -> (i32, i32) {
    %c0_i32 = arith.constant 0 : i32
    %c0_i32_0 = arith.constant 0 : i32
    %c0_i32_1 = arith.constant 0 : i32
    return %c0_i32, %c0_i32_0 : i32, i32
  }
  func.func @transform_5(%arg0: i32, %arg1: memref<97xi32, #tpu.memory_space<smem>>) -> (i32, i32) {
    %c0_i32 = arith.constant 0 : i32
    %c0_i32_0 = arith.constant 0 : i32
    return %arg0, %c0_i32 : i32, i32
  }
}

module attributes {stable_mosaic.version = 14 : i64} {
  func.func @_route_kernel(%arg0: memref<2048x768xf32, #tpu.memory_space<vmem>>, %arg1: memref<768x128xf32, #tpu.memory_space<vmem>>, %arg2: memref<1x128xf32, #tpu.memory_space<vmem>>, %arg3: memref<2048x64xf32, #tpu.memory_space<vmem>>, %arg4: memref<2048x1xi32, #tpu.memory_space<vmem>>, %arg5: memref<97x1xi32, #tpu.memory_space<vmem>>) attributes {dimension_semantics = [], scalar_prefetch = 0 : i64, scratch_operands = 0 : i64, tpu.core_type = #tpu.core_type<tc>} {
    %get3A = arith.constant 0 : index
    %get3A_0 = arith.constant 0 : index
    %get3A_1 = vector.load %arg0[%get3A, %get3A_0] : memref<2048x768xf32, #tpu.memory_space<vmem>>, vector<2048x768xf32>
    %get3A_2 = arith.constant 0 : index
    %get3A_3 = arith.constant 0 : index
    %get3A_4 = vector.load %arg1[%get3A_2, %get3A_3] : memref<768x128xf32, #tpu.memory_space<vmem>>, vector<768x128xf32>
    %dot_general3A = arith.constant dense<0.000000e+00> : vector<2048x128xf32>
    %dot_general3A_5 = tpu.matmul %get3A_1, %get3A_4, %dot_general3A {dimension_numbers = #tpu.dot_dimension_numbers<[1], [0], [0], [1], [0, 0, 1, 1], [], []>, transpose_lhs_hint = false} : vector<2048x768xf32>, vector<768x128xf32>, vector<2048x128xf32> -> vector<2048x128xf32>
    %get3A_6 = arith.constant 0 : index
    %get3A_7 = arith.constant 0 : index
    %get3A_8 = vector.load %arg2[%get3A_6, %get3A_7] : memref<1x128xf32, #tpu.memory_space<vmem>>, vector<1x128xf32>
    %add3A = vector.broadcast %get3A_8 : vector<1x128xf32> to vector<2048x128xf32>
    %add3A_9 = arith.addf %dot_general3A_5, %add3A : vector<2048x128xf32>
    %slice3A = vector.extract_strided_slice %add3A_9 {offsets = [0, 0], sizes = [2048, 64], strides = [1, 1]} : vector<2048x128xf32> to vector<2048x64xf32>
    %slice3A_10 = vector.extract_strided_slice %add3A_9 {offsets = [0, 64], sizes = [2048, 64], strides = [1, 1]} : vector<2048x128xf32> to vector<2048x64xf32>
    %get3A_11 = arith.constant 0 : index
    %get3A_12 = arith.constant 0 : index
    %get3A_13 = vector.load %arg3[%get3A_11, %get3A_12] : memref<2048x64xf32, #tpu.memory_space<vmem>>, vector<2048x64xf32>
    %custom_jvp_call3A = arith.constant 0.000000e+00 : f32
    %max3A = vector.broadcast %custom_jvp_call3A : f32 to vector<2048x64xf32>
    %max3A_14 = arith.maximumf %slice3A_10, %max3A : vector<2048x64xf32>
    %sub3A = vector.broadcast %custom_jvp_call3A : f32 to vector<2048x64xf32>
    %sub3A_15 = arith.subf %slice3A_10, %sub3A : vector<2048x64xf32>
    %ne3A = arith.cmpf one, %sub3A_15, %sub3A_15 : vector<2048x64xf32>
    %add3A_16 = vector.broadcast %custom_jvp_call3A : f32 to vector<2048x64xf32>
    %add3A_17 = arith.addf %slice3A_10, %add3A_16 : vector<2048x64xf32>
    %abs3A = math.absf %sub3A_15 : vector<2048x64xf32>
    %neg3A = arith.constant 0.000000e+00 : f32
    %neg3A_18 = vector.broadcast %neg3A : f32 to vector<2048x64xf32>
    %neg3A_19 = arith.subf %neg3A_18, %abs3A : vector<2048x64xf32>
    %exp3A = math.exp %neg3A_19 : vector<2048x64xf32>
    %log1p3A = math.log1p %exp3A : vector<2048x64xf32>
    %add3A_20 = arith.addf %max3A_14, %log1p3A : vector<2048x64xf32>
    %select_n3A = arith.select %ne3A, %add3A_17, %add3A_20 : vector<2048x64xi1>, vector<2048x64xf32>
    %mul3A = arith.mulf %get3A_13, %select_n3A : vector<2048x64xf32>
    %add3A_21 = arith.addf %slice3A, %mul3A : vector<2048x64xf32>
    %reduce_max3A = arith.constant dense<0xFF800000> : vector<2048xf32>
    %reduce_max3A_22 = vector.multi_reduction <maximumf>, %add3A_21, %reduce_max3A [1] : vector<2048x64xf32> to vector<2048xf32>
    %broadcast_in_dim3A = vector.shape_cast %reduce_max3A_22 : vector<2048xf32> to vector<2048x1xf32>
    %iota3A = tpu.iota {dimensions = array<i32: 1>} : vector<2048x64xi32>
    %eq3A = vector.broadcast %broadcast_in_dim3A : vector<2048x1xf32> to vector<2048x64xf32>
    %eq3A_23 = arith.cmpf oeq, %add3A_21, %eq3A : vector<2048x64xf32>
    %jit3A = arith.constant 64 : i32
    %broadcast_in_dim3A_24 = vector.broadcast %jit3A : i32 to vector<2048x64xi32>
    %select_n3A_25 = arith.select %eq3A_23, %iota3A, %broadcast_in_dim3A_24 : vector<2048x64xi1>, vector<2048x64xi32>
    %reduce_min3A = arith.constant dense<2147483647> : vector<2048xi32>
    %reduce_min3A_26 = vector.multi_reduction <minsi>, %select_n3A_25, %reduce_min3A [1] : vector<2048x64xi32> to vector<2048xi32>
    %broadcast_in_dim3A_27 = vector.shape_cast %reduce_min3A_26 : vector<2048xi32> to vector<2048x1xi32>
    %eq3A_28 = vector.broadcast %broadcast_in_dim3A_27 : vector<2048x1xi32> to vector<2048x64xi32>
    %eq3A_29 = arith.cmpi eq, %iota3A, %eq3A_28 : vector<2048x64xi32>
    %convert_element_type3A = arith.extui %eq3A_29 : vector<2048x64xi1> to vector<2048x64xi32>
    %convert_element_type3A_30 = arith.sitofp %convert_element_type3A : vector<2048x64xi32> to vector<2048x64xf32>
    %reduce_sum3A = arith.constant dense<0.000000e+00> : vector<64xf32>
    %reduce_sum3A_31 = vector.multi_reduction <add>, %convert_element_type3A_30, %reduce_sum3A [0] : vector<2048x64xf32> to vector<64xf32>
    %broadcast_in_dim3A_32 = vector.shape_cast %reduce_sum3A_31 : vector<64xf32> to vector<1x64xf32>
    %div3A = arith.constant 6.400000e+01 : f32
    %div3A_33 = vector.broadcast %div3A : f32 to vector<1x64xf32>
    %div3A_34 = arith.divf %broadcast_in_dim3A_32, %div3A_33 : vector<1x64xf32>
    %ceil3A = math.ceil %div3A_34 : vector<1x64xf32>
    %mul3A_35 = arith.constant 6.400000e+01 : f32
    %mul3A_36 = vector.broadcast %mul3A_35 : f32 to vector<1x64xf32>
    %mul3A_37 = arith.mulf %ceil3A, %mul3A_36 : vector<1x64xf32>
    %iota3A_38 = tpu.iota {dimensions = array<i32: 0>} : vector<64x64xi32>
    %iota3A_39 = tpu.iota {dimensions = array<i32: 1>} : vector<64x64xi32>
    %lt3A = arith.cmpi slt, %iota3A_38, %iota3A_39 : vector<64x64xi32>
    %convert_element_type3A_40 = arith.extui %lt3A : vector<64x64xi1> to vector<64x64xi32>
    %convert_element_type3A_41 = arith.sitofp %convert_element_type3A_40 : vector<64x64xi32> to vector<64x64xf32>
    %dot_general3A_42 = arith.constant dense<0.000000e+00> : vector<1x64xf32>
    %dot_general3A_43 = tpu.matmul %mul3A_37, %convert_element_type3A_41, %dot_general3A_42 {dimension_numbers = #tpu.dot_dimension_numbers<[1], [0], [0], [1], [0, 0, 1, 1], [], []>, precision = #tpu.contract_precision<fp32>, transpose_lhs_hint = false} : vector<1x64xf32>, vector<64x64xf32>, vector<1x64xf32> -> vector<1x64xf32>
    %iota3A_44 = tpu.iota {dimensions = array<i32: 0>} : vector<256x256xi32>
    %iota3A_45 = tpu.iota {dimensions = array<i32: 1>} : vector<256x256xi32>
    %lt3A_46 = arith.cmpi slt, %iota3A_45, %iota3A_44 : vector<256x256xi32>
    %convert_element_type3A_47 = arith.extui %lt3A_46 : vector<256x256xi1> to vector<256x256xi32>
    %convert_element_type3A_48 = arith.sitofp %convert_element_type3A_47 : vector<256x256xi32> to vector<256x256xf32>
    %slice3A_49 = vector.extract_strided_slice %convert_element_type3A_30 {offsets = [0, 0], sizes = [256, 64], strides = [1, 1]} : vector<2048x64xf32> to vector<256x64xf32>
    %reduce_sum3A_50 = arith.constant dense<0.000000e+00> : vector<64xf32>
    %reduce_sum3A_51 = vector.multi_reduction <add>, %slice3A_49, %reduce_sum3A_50 [0] : vector<256x64xf32> to vector<64xf32>
    %broadcast_in_dim3A_52 = vector.shape_cast %reduce_sum3A_51 : vector<64xf32> to vector<1x64xf32>
    %slice3A_53 = vector.extract_strided_slice %convert_element_type3A_30 {offsets = [256, 0], sizes = [256, 64], strides = [1, 1]} : vector<2048x64xf32> to vector<256x64xf32>
    %reduce_sum3A_54 = arith.constant dense<0.000000e+00> : vector<64xf32>
    %reduce_sum3A_55 = vector.multi_reduction <add>, %slice3A_53, %reduce_sum3A_54 [0] : vector<256x64xf32> to vector<64xf32>
    %broadcast_in_dim3A_56 = vector.shape_cast %reduce_sum3A_55 : vector<64xf32> to vector<1x64xf32>
    %slice3A_57 = vector.extract_strided_slice %convert_element_type3A_30 {offsets = [512, 0], sizes = [256, 64], strides = [1, 1]} : vector<2048x64xf32> to vector<256x64xf32>
    %reduce_sum3A_58 = arith.constant dense<0.000000e+00> : vector<64xf32>
    %reduce_sum3A_59 = vector.multi_reduction <add>, %slice3A_57, %reduce_sum3A_58 [0] : vector<256x64xf32> to vector<64xf32>
    %broadcast_in_dim3A_60 = vector.shape_cast %reduce_sum3A_59 : vector<64xf32> to vector<1x64xf32>
    %slice3A_61 = vector.extract_strided_slice %convert_element_type3A_30 {offsets = [768, 0], sizes = [256, 64], strides = [1, 1]} : vector<2048x64xf32> to vector<256x64xf32>
    %reduce_sum3A_62 = arith.constant dense<0.000000e+00> : vector<64xf32>
    %reduce_sum3A_63 = vector.multi_reduction <add>, %slice3A_61, %reduce_sum3A_62 [0] : vector<256x64xf32> to vector<64xf32>
    %broadcast_in_dim3A_64 = vector.shape_cast %reduce_sum3A_63 : vector<64xf32> to vector<1x64xf32>
    %slice3A_65 = vector.extract_strided_slice %convert_element_type3A_30 {offsets = [1024, 0], sizes = [256, 64], strides = [1, 1]} : vector<2048x64xf32> to vector<256x64xf32>
    %reduce_sum3A_66 = arith.constant dense<0.000000e+00> : vector<64xf32>
    %reduce_sum3A_67 = vector.multi_reduction <add>, %slice3A_65, %reduce_sum3A_66 [0] : vector<256x64xf32> to vector<64xf32>
    %broadcast_in_dim3A_68 = vector.shape_cast %reduce_sum3A_67 : vector<64xf32> to vector<1x64xf32>
    %slice3A_69 = vector.extract_strided_slice %convert_element_type3A_30 {offsets = [1280, 0], sizes = [256, 64], strides = [1, 1]} : vector<2048x64xf32> to vector<256x64xf32>
    %reduce_sum3A_70 = arith.constant dense<0.000000e+00> : vector<64xf32>
    %reduce_sum3A_71 = vector.multi_reduction <add>, %slice3A_69, %reduce_sum3A_70 [0] : vector<256x64xf32> to vector<64xf32>
    %broadcast_in_dim3A_72 = vector.shape_cast %reduce_sum3A_71 : vector<64xf32> to vector<1x64xf32>
    %slice3A_73 = vector.extract_strided_slice %convert_element_type3A_30 {offsets = [1536, 0], sizes = [256, 64], strides = [1, 1]} : vector<2048x64xf32> to vector<256x64xf32>
    %reduce_sum3A_74 = arith.constant dense<0.000000e+00> : vector<64xf32>
    %reduce_sum3A_75 = vector.multi_reduction <add>, %slice3A_73, %reduce_sum3A_74 [0] : vector<256x64xf32> to vector<64xf32>
    %broadcast_in_dim3A_76 = vector.shape_cast %reduce_sum3A_75 : vector<64xf32> to vector<1x64xf32>
    %slice3A_77 = vector.extract_strided_slice %convert_element_type3A_30 {offsets = [1792, 0], sizes = [256, 64], strides = [1, 1]} : vector<2048x64xf32> to vector<256x64xf32>
    %reduce_sum3A_78 = arith.constant dense<0.000000e+00> : vector<64xf32>
    %reduce_sum3A_79 = vector.multi_reduction <add>, %slice3A_77, %reduce_sum3A_78 [0] : vector<256x64xf32> to vector<64xf32>
    %broadcast_in_dim3A_80 = vector.shape_cast %reduce_sum3A_79 : vector<64xf32> to vector<1x64xf32>
    %concatenate3A = tpu.concatenate %broadcast_in_dim3A_52, %broadcast_in_dim3A_56, %broadcast_in_dim3A_60, %broadcast_in_dim3A_64, %broadcast_in_dim3A_68, %broadcast_in_dim3A_72, %broadcast_in_dim3A_76, %broadcast_in_dim3A_80 in 0 : vector<1x64xf32>, vector<1x64xf32>, vector<1x64xf32>, vector<1x64xf32>, vector<1x64xf32>, vector<1x64xf32>, vector<1x64xf32>, vector<1x64xf32> -> vector<8x64xf32>
    %iota3A_81 = tpu.iota {dimensions = array<i32: 0>} : vector<8x8xi32>
    %iota3A_82 = tpu.iota {dimensions = array<i32: 1>} : vector<8x8xi32>
    %lt3A_83 = arith.cmpi slt, %iota3A_82, %iota3A_81 : vector<8x8xi32>
    %convert_element_type3A_84 = arith.extui %lt3A_83 : vector<8x8xi1> to vector<8x8xi32>
    %convert_element_type3A_85 = arith.sitofp %convert_element_type3A_84 : vector<8x8xi32> to vector<8x8xf32>
    %dot_general3A_86 = arith.constant dense<0.000000e+00> : vector<8x64xf32>
    %dot_general3A_87 = tpu.matmul %convert_element_type3A_85, %concatenate3A, %dot_general3A_86 {dimension_numbers = #tpu.dot_dimension_numbers<[1], [0], [0], [1], [0, 0, 1, 1], [], []>, precision = #tpu.contract_precision<fp32>, transpose_lhs_hint = false} : vector<8x8xf32>, vector<8x64xf32>, vector<8x64xf32> -> vector<8x64xf32>
    %slice3A_88 = vector.extract_strided_slice %convert_element_type3A_30 {offsets = [0, 0], sizes = [256, 64], strides = [1, 1]} : vector<2048x64xf32> to vector<256x64xf32>
    %dot_general3A_89 = arith.constant dense<0.000000e+00> : vector<256x64xf32>
    %dot_general3A_90 = tpu.matmul %convert_element_type3A_48, %slice3A_88, %dot_general3A_89 {dimension_numbers = #tpu.dot_dimension_numbers<[1], [0], [0], [1], [0, 0, 1, 1], [], []>, transpose_lhs_hint = false} : vector<256x256xf32>, vector<256x64xf32>, vector<256x64xf32> -> vector<256x64xf32>
    %slice3A_91 = vector.extract_strided_slice %dot_general3A_87 {offsets = [0, 0], sizes = [1, 64], strides = [1, 1]} : vector<8x64xf32> to vector<1x64xf32>
    %add3A_92 = vector.broadcast %slice3A_91 : vector<1x64xf32> to vector<256x64xf32>
    %add3A_93 = arith.addf %dot_general3A_90, %add3A_92 : vector<256x64xf32>
    %add3A_94 = vector.broadcast %dot_general3A_43 : vector<1x64xf32> to vector<256x64xf32>
    %add3A_95 = arith.addf %add3A_93, %add3A_94 : vector<256x64xf32>
    %mul3A_96 = arith.mulf %add3A_95, %slice3A_88 : vector<256x64xf32>
    %reduce_sum3A_97 = arith.constant dense<0.000000e+00> : vector<256xf32>
    %reduce_sum3A_98 = vector.multi_reduction <add>, %mul3A_96, %reduce_sum3A_97 [1] : vector<256x64xf32> to vector<256xf32>
    %broadcast_in_dim3A_99 = vector.shape_cast %reduce_sum3A_98 : vector<256xf32> to vector<256x1xf32>
    %slice3A_100 = vector.extract_strided_slice %convert_element_type3A_30 {offsets = [256, 0], sizes = [256, 64], strides = [1, 1]} : vector<2048x64xf32> to vector<256x64xf32>
    %dot_general3A_101 = arith.constant dense<0.000000e+00> : vector<256x64xf32>
    %dot_general3A_102 = tpu.matmul %convert_element_type3A_48, %slice3A_100, %dot_general3A_101 {dimension_numbers = #tpu.dot_dimension_numbers<[1], [0], [0], [1], [0, 0, 1, 1], [], []>, transpose_lhs_hint = false} : vector<256x256xf32>, vector<256x64xf32>, vector<256x64xf32> -> vector<256x64xf32>
    %slice3A_103 = vector.extract_strided_slice %dot_general3A_87 {offsets = [1, 0], sizes = [1, 64], strides = [1, 1]} : vector<8x64xf32> to vector<1x64xf32>
    %add3A_104 = vector.broadcast %slice3A_103 : vector<1x64xf32> to vector<256x64xf32>
    %add3A_105 = arith.addf %dot_general3A_102, %add3A_104 : vector<256x64xf32>
    %add3A_106 = vector.broadcast %dot_general3A_43 : vector<1x64xf32> to vector<256x64xf32>
    %add3A_107 = arith.addf %add3A_105, %add3A_106 : vector<256x64xf32>
    %mul3A_108 = arith.mulf %add3A_107, %slice3A_100 : vector<256x64xf32>
    %reduce_sum3A_109 = arith.constant dense<0.000000e+00> : vector<256xf32>
    %reduce_sum3A_110 = vector.multi_reduction <add>, %mul3A_108, %reduce_sum3A_109 [1] : vector<256x64xf32> to vector<256xf32>
    %broadcast_in_dim3A_111 = vector.shape_cast %reduce_sum3A_110 : vector<256xf32> to vector<256x1xf32>
    %slice3A_112 = vector.extract_strided_slice %convert_element_type3A_30 {offsets = [512, 0], sizes = [256, 64], strides = [1, 1]} : vector<2048x64xf32> to vector<256x64xf32>
    %dot_general3A_113 = arith.constant dense<0.000000e+00> : vector<256x64xf32>
    %dot_general3A_114 = tpu.matmul %convert_element_type3A_48, %slice3A_112, %dot_general3A_113 {dimension_numbers = #tpu.dot_dimension_numbers<[1], [0], [0], [1], [0, 0, 1, 1], [], []>, transpose_lhs_hint = false} : vector<256x256xf32>, vector<256x64xf32>, vector<256x64xf32> -> vector<256x64xf32>
    %slice3A_115 = vector.extract_strided_slice %dot_general3A_87 {offsets = [2, 0], sizes = [1, 64], strides = [1, 1]} : vector<8x64xf32> to vector<1x64xf32>
    %add3A_116 = vector.broadcast %slice3A_115 : vector<1x64xf32> to vector<256x64xf32>
    %add3A_117 = arith.addf %dot_general3A_114, %add3A_116 : vector<256x64xf32>
    %add3A_118 = vector.broadcast %dot_general3A_43 : vector<1x64xf32> to vector<256x64xf32>
    %add3A_119 = arith.addf %add3A_117, %add3A_118 : vector<256x64xf32>
    %mul3A_120 = arith.mulf %add3A_119, %slice3A_112 : vector<256x64xf32>
    %reduce_sum3A_121 = arith.constant dense<0.000000e+00> : vector<256xf32>
    %reduce_sum3A_122 = vector.multi_reduction <add>, %mul3A_120, %reduce_sum3A_121 [1] : vector<256x64xf32> to vector<256xf32>
    %broadcast_in_dim3A_123 = vector.shape_cast %reduce_sum3A_122 : vector<256xf32> to vector<256x1xf32>
    %slice3A_124 = vector.extract_strided_slice %convert_element_type3A_30 {offsets = [768, 0], sizes = [256, 64], strides = [1, 1]} : vector<2048x64xf32> to vector<256x64xf32>
    %dot_general3A_125 = arith.constant dense<0.000000e+00> : vector<256x64xf32>
    %dot_general3A_126 = tpu.matmul %convert_element_type3A_48, %slice3A_124, %dot_general3A_125 {dimension_numbers = #tpu.dot_dimension_numbers<[1], [0], [0], [1], [0, 0, 1, 1], [], []>, transpose_lhs_hint = false} : vector<256x256xf32>, vector<256x64xf32>, vector<256x64xf32> -> vector<256x64xf32>
    %slice3A_127 = vector.extract_strided_slice %dot_general3A_87 {offsets = [3, 0], sizes = [1, 64], strides = [1, 1]} : vector<8x64xf32> to vector<1x64xf32>
    %add3A_128 = vector.broadcast %slice3A_127 : vector<1x64xf32> to vector<256x64xf32>
    %add3A_129 = arith.addf %dot_general3A_126, %add3A_128 : vector<256x64xf32>
    %add3A_130 = vector.broadcast %dot_general3A_43 : vector<1x64xf32> to vector<256x64xf32>
    %add3A_131 = arith.addf %add3A_129, %add3A_130 : vector<256x64xf32>
    %mul3A_132 = arith.mulf %add3A_131, %slice3A_124 : vector<256x64xf32>
    %reduce_sum3A_133 = arith.constant dense<0.000000e+00> : vector<256xf32>
    %reduce_sum3A_134 = vector.multi_reduction <add>, %mul3A_132, %reduce_sum3A_133 [1] : vector<256x64xf32> to vector<256xf32>
    %broadcast_in_dim3A_135 = vector.shape_cast %reduce_sum3A_134 : vector<256xf32> to vector<256x1xf32>
    %slice3A_136 = vector.extract_strided_slice %convert_element_type3A_30 {offsets = [1024, 0], sizes = [256, 64], strides = [1, 1]} : vector<2048x64xf32> to vector<256x64xf32>
    %dot_general3A_137 = arith.constant dense<0.000000e+00> : vector<256x64xf32>
    %dot_general3A_138 = tpu.matmul %convert_element_type3A_48, %slice3A_136, %dot_general3A_137 {dimension_numbers = #tpu.dot_dimension_numbers<[1], [0], [0], [1], [0, 0, 1, 1], [], []>, transpose_lhs_hint = false} : vector<256x256xf32>, vector<256x64xf32>, vector<256x64xf32> -> vector<256x64xf32>
    %slice3A_139 = vector.extract_strided_slice %dot_general3A_87 {offsets = [4, 0], sizes = [1, 64], strides = [1, 1]} : vector<8x64xf32> to vector<1x64xf32>
    %add3A_140 = vector.broadcast %slice3A_139 : vector<1x64xf32> to vector<256x64xf32>
    %add3A_141 = arith.addf %dot_general3A_138, %add3A_140 : vector<256x64xf32>
    %add3A_142 = vector.broadcast %dot_general3A_43 : vector<1x64xf32> to vector<256x64xf32>
    %add3A_143 = arith.addf %add3A_141, %add3A_142 : vector<256x64xf32>
    %mul3A_144 = arith.mulf %add3A_143, %slice3A_136 : vector<256x64xf32>
    %reduce_sum3A_145 = arith.constant dense<0.000000e+00> : vector<256xf32>
    %reduce_sum3A_146 = vector.multi_reduction <add>, %mul3A_144, %reduce_sum3A_145 [1] : vector<256x64xf32> to vector<256xf32>
    %broadcast_in_dim3A_147 = vector.shape_cast %reduce_sum3A_146 : vector<256xf32> to vector<256x1xf32>
    %slice3A_148 = vector.extract_strided_slice %convert_element_type3A_30 {offsets = [1280, 0], sizes = [256, 64], strides = [1, 1]} : vector<2048x64xf32> to vector<256x64xf32>
    %dot_general3A_149 = arith.constant dense<0.000000e+00> : vector<256x64xf32>
    %dot_general3A_150 = tpu.matmul %convert_element_type3A_48, %slice3A_148, %dot_general3A_149 {dimension_numbers = #tpu.dot_dimension_numbers<[1], [0], [0], [1], [0, 0, 1, 1], [], []>, transpose_lhs_hint = false} : vector<256x256xf32>, vector<256x64xf32>, vector<256x64xf32> -> vector<256x64xf32>
    %slice3A_151 = vector.extract_strided_slice %dot_general3A_87 {offsets = [5, 0], sizes = [1, 64], strides = [1, 1]} : vector<8x64xf32> to vector<1x64xf32>
    %add3A_152 = vector.broadcast %slice3A_151 : vector<1x64xf32> to vector<256x64xf32>
    %add3A_153 = arith.addf %dot_general3A_150, %add3A_152 : vector<256x64xf32>
    %add3A_154 = vector.broadcast %dot_general3A_43 : vector<1x64xf32> to vector<256x64xf32>
    %add3A_155 = arith.addf %add3A_153, %add3A_154 : vector<256x64xf32>
    %mul3A_156 = arith.mulf %add3A_155, %slice3A_148 : vector<256x64xf32>
    %reduce_sum3A_157 = arith.constant dense<0.000000e+00> : vector<256xf32>
    %reduce_sum3A_158 = vector.multi_reduction <add>, %mul3A_156, %reduce_sum3A_157 [1] : vector<256x64xf32> to vector<256xf32>
    %broadcast_in_dim3A_159 = vector.shape_cast %reduce_sum3A_158 : vector<256xf32> to vector<256x1xf32>
    %slice3A_160 = vector.extract_strided_slice %convert_element_type3A_30 {offsets = [1536, 0], sizes = [256, 64], strides = [1, 1]} : vector<2048x64xf32> to vector<256x64xf32>
    %dot_general3A_161 = arith.constant dense<0.000000e+00> : vector<256x64xf32>
    %dot_general3A_162 = tpu.matmul %convert_element_type3A_48, %slice3A_160, %dot_general3A_161 {dimension_numbers = #tpu.dot_dimension_numbers<[1], [0], [0], [1], [0, 0, 1, 1], [], []>, transpose_lhs_hint = false} : vector<256x256xf32>, vector<256x64xf32>, vector<256x64xf32> -> vector<256x64xf32>
    %slice3A_163 = vector.extract_strided_slice %dot_general3A_87 {offsets = [6, 0], sizes = [1, 64], strides = [1, 1]} : vector<8x64xf32> to vector<1x64xf32>
    %add3A_164 = vector.broadcast %slice3A_163 : vector<1x64xf32> to vector<256x64xf32>
    %add3A_165 = arith.addf %dot_general3A_162, %add3A_164 : vector<256x64xf32>
    %add3A_166 = vector.broadcast %dot_general3A_43 : vector<1x64xf32> to vector<256x64xf32>
    %add3A_167 = arith.addf %add3A_165, %add3A_166 : vector<256x64xf32>
    %mul3A_168 = arith.mulf %add3A_167, %slice3A_160 : vector<256x64xf32>
    %reduce_sum3A_169 = arith.constant dense<0.000000e+00> : vector<256xf32>
    %reduce_sum3A_170 = vector.multi_reduction <add>, %mul3A_168, %reduce_sum3A_169 [1] : vector<256x64xf32> to vector<256xf32>
    %broadcast_in_dim3A_171 = vector.shape_cast %reduce_sum3A_170 : vector<256xf32> to vector<256x1xf32>
    %slice3A_172 = vector.extract_strided_slice %convert_element_type3A_30 {offsets = [1792, 0], sizes = [256, 64], strides = [1, 1]} : vector<2048x64xf32> to vector<256x64xf32>
    %dot_general3A_173 = arith.constant dense<0.000000e+00> : vector<256x64xf32>
    %dot_general3A_174 = tpu.matmul %convert_element_type3A_48, %slice3A_172, %dot_general3A_173 {dimension_numbers = #tpu.dot_dimension_numbers<[1], [0], [0], [1], [0, 0, 1, 1], [], []>, transpose_lhs_hint = false} : vector<256x256xf32>, vector<256x64xf32>, vector<256x64xf32> -> vector<256x64xf32>
    %slice3A_175 = vector.extract_strided_slice %dot_general3A_87 {offsets = [7, 0], sizes = [1, 64], strides = [1, 1]} : vector<8x64xf32> to vector<1x64xf32>
    %add3A_176 = vector.broadcast %slice3A_175 : vector<1x64xf32> to vector<256x64xf32>
    %add3A_177 = arith.addf %dot_general3A_174, %add3A_176 : vector<256x64xf32>
    %add3A_178 = vector.broadcast %dot_general3A_43 : vector<1x64xf32> to vector<256x64xf32>
    %add3A_179 = arith.addf %add3A_177, %add3A_178 : vector<256x64xf32>
    %mul3A_180 = arith.mulf %add3A_179, %slice3A_172 : vector<256x64xf32>
    %reduce_sum3A_181 = arith.constant dense<0.000000e+00> : vector<256xf32>
    %reduce_sum3A_182 = vector.multi_reduction <add>, %mul3A_180, %reduce_sum3A_181 [1] : vector<256x64xf32> to vector<256xf32>
    %broadcast_in_dim3A_183 = vector.shape_cast %reduce_sum3A_182 : vector<256xf32> to vector<256x1xf32>
    %concatenate3A_184 = tpu.concatenate %broadcast_in_dim3A_99, %broadcast_in_dim3A_111, %broadcast_in_dim3A_123, %broadcast_in_dim3A_135, %broadcast_in_dim3A_147, %broadcast_in_dim3A_159, %broadcast_in_dim3A_171, %broadcast_in_dim3A_183 in 0 : vector<256x1xf32>, vector<256x1xf32>, vector<256x1xf32>, vector<256x1xf32>, vector<256x1xf32>, vector<256x1xf32>, vector<256x1xf32>, vector<256x1xf32> -> vector<2048x1xf32>
    %convert_element_type3A_185 = arith.fptosi %concatenate3A_184 : vector<2048x1xf32> to vector<2048x1xi32>
    %swap3A = arith.constant 0 : index
    %swap3A_186 = arith.constant 0 : index
    %swap3A_187 = vector.load %arg4[%swap3A, %swap3A_186] : memref<2048x1xi32, #tpu.memory_space<vmem>>, vector<2048x1xi32>
    tpu.vector_store %arg4[%swap3A, %swap3A_186], %convert_element_type3A_185 {strides = array<i32>} : memref<2048x1xi32, #tpu.memory_space<vmem>>, vector<2048x1xi32>,
    %iota3A_188 = tpu.iota {dimensions = array<i32: 0>} : vector<96x64xi32>
    %mul3A_189 = arith.constant 64 : i32
    %mul3A_190 = vector.broadcast %mul3A_189 : i32 to vector<96x64xi32>
    %mul3A_191 = arith.muli %iota3A_188, %mul3A_190 : vector<96x64xi32>
    %convert_element_type3A_192 = arith.sitofp %mul3A_191 : vector<96x64xi32> to vector<96x64xf32>
    %le3A = vector.broadcast %dot_general3A_43 : vector<1x64xf32> to vector<96x64xf32>
    %le3A_193 = arith.cmpf ole, %le3A, %convert_element_type3A_192 : vector<96x64xf32>
    %convert_element_type3A_194 = arith.extui %le3A_193 : vector<96x64xi1> to vector<96x64xi32>
    %reduce_sum3A_195 = arith.constant dense<0> : vector<96xi32>
    %reduce_sum3A_196 = vector.multi_reduction <add>, %convert_element_type3A_194, %reduce_sum3A_195 [1] : vector<96x64xi32> to vector<96xi32>
    %broadcast_in_dim3A_197 = vector.shape_cast %reduce_sum3A_196 : vector<96xi32> to vector<96x1xi32>
    %sub3A_198 = arith.constant 1 : i32
    %sub3A_199 = vector.broadcast %sub3A_198 : i32 to vector<96x1xi32>
    %sub3A_200 = arith.subi %broadcast_in_dim3A_197, %sub3A_199 : vector<96x1xi32>
    %reduce_sum3A_201 = arith.constant dense<0.000000e+00> : vector<1xf32>
    %reduce_sum3A_202 = vector.multi_reduction <add>, %mul3A_37, %reduce_sum3A_201 [1] : vector<1x64xf32> to vector<1xf32>
    %broadcast_in_dim3A_203 = vector.shape_cast %reduce_sum3A_202 : vector<1xf32> to vector<1x1xf32>
    %div3A_204 = arith.constant 6.400000e+01 : f32
    %div3A_205 = vector.broadcast %div3A_204 : f32 to vector<1x1xf32>
    %div3A_206 = arith.divf %broadcast_in_dim3A_203, %div3A_205 : vector<1x1xf32>
    %convert_element_type3A_207 = arith.fptosi %div3A_206 : vector<1x1xf32> to vector<1x1xi32>
    %concatenate3A_208 = tpu.concatenate %sub3A_200, %convert_element_type3A_207 in 0 : vector<96x1xi32>, vector<1x1xi32> -> vector<97x1xi32>
    %swap3A_209 = arith.constant 0 : index
    %swap3A_210 = arith.constant 0 : index
    %swap3A_211 = vector.load %arg5[%swap3A_209, %swap3A_210] : memref<97x1xi32, #tpu.memory_space<vmem>>, vector<97x1xi32>
    tpu.vector_store %arg5[%swap3A_209, %swap3A_210], %concatenate3A_208 {strides = array<i32>} : memref<97x1xi32, #tpu.memory_space<vmem>>, vector<97x1xi32>,
    return
  }
}

</mosaic_0001>

<sc_bundles>
// kernel: kernel.6.cloned.1.call-start
scs
__scs_entry_jumppad:
0x0: {  	(pc) =	sbr.rel $0x88, $3  }
0x1: {  	(tag) =	ssettag $0x0;
	lr =	simm.s32 $0x1  }
0x2: {  	[smem:$0x3F97] =	sst lr;
	_ =	strace $0xD0000000  }
0x3: {  	_ = 	snop  }
0x4: {  	_ = 	snop  }
0x5: {  	_ = 	snop  }
0x6: {  	_ = 	snop  }
0x7: {  	_ = 	snop  }
__scs_overlays_trampoline_lowered:
0x8: {  	[smem:$0x3FA6] =	sst s0  }
0x9: {  	[smem:$0x3FA7] =	sst s1  }
0xa: {  	[smem:$0x3FA8] =	sst s2  }
0xb: {  	[smem:$0x3FA9] =	sst s3  }
0xc: {  	[smem:$0x3FAA] =	sst s4  }
0xd: {  	[smem:$0x3FAB] =	sst s5  }
0xe: {  	[smem:$0x3FAC] =	sst s6  }
0xf: {  	[smem:$0x3FAD] =	sst s7  }
0x10: {  	[smem:$0x3FAE] =	sst s8  }
0x11: {  	[smem:$0x3FAF] =	sst s9;
	s0 =	simm.s32 @!p0 $0x0  }
0x12: {  	s1 =	sld [smem:$0x3F95];
	s0 =	simm.s32 @p0 $0x1  }
0x13: {  	[smem:$0x3FB0] =	sst s0;
	s0 =	simm.s32 @!p1 $0x0  }
0x14: {  	s2 =	sld [smem:$0x3F94];
	s0 =	simm.s32 @p1 $0x1  }
0x15: {  	[smem:$0x3FB1] =	sst s0;
	s0 =	simm.s32 @!p2 $0x0  }
0x16: {  	s3 =	sld [smem:$0x3FDB];
	s0 =	simm.s32 @p2 $0x1  }
0x17: {  	s4 =	simm.s32 $0x1BF5;
	[smem:$0x3FB3] =	sst s0  }
0x18: {  	s0 =	sld [smem:$0x3F96];
	_ =	swait.ge [sflag:s4], $0x0  }
0x19: {  	s7 =	sld [smem:$0x3F97]  }
0x1a: {  	s8 =	sadd.s32 $0xFFFFE003, lr  }
0x1b: {  	s9 =	sadd.s32 $0xFFFFFEF7, lr;
	s5 =	simm.s32 $0xFFFFFFFF;
	p2 =	slt.u32 s8, $0xFFFFF086  }
0x1c: {  	p1 =	slt.u32 s9, $0xF7A;
	s5 =	simm.s32 @!p2 $0x0  }
0x1d: {  	s5 =	simm.s32 @p1 $0x1;
	p0 =	seq.s32 s7, s2  }
0x1e: {  	s7 =	smul.u32 @!p0 $0xF7A, s2;
	p2 =	seq.s32 @!p0 s5, $0x0  }
0x1f: {  	s9 =	smul.u32 $0xF7A, s1;
	s8 =	simm.s32 @!p0 $0x1BF5;
	p2 =	por !p2, p0  }
0x20: {  	[sflag:s8] =	ssyncset.s32 @!p0 $0xFFFFF086;
	s6 =	sadd.s32 @!p0 s3, s7;
	s7 =	simm.s32 @!p0 $0x108  }
0x21: {  	s3 =	sadd.s32 s3, s9;
	s6 =	sadd.s32 @!p0 $0x88, s6;
	s7 =	simm.s32 @p2 $0x1082  }
0x22: {  	[simem:s7], [sflag:s8] =	dma.local @!p0 [hbm:s6], $0xF7A  }
0x23: {  	s9 =	sor.u32 $0xD0000000, s2;
	s6 =	simm.s32 $0x108;
	_ =	swait.ge @!p0 [sflag:s8], $0x0  }
0x24: {  	s3 =	sadd.s32 $0x88, s3;
	s6 =	simm.s32 @!p1 $0x1082;
	[sflag:s4] =	ssyncset.s32 $0xFFFFF086  }
0x25: {  	[simem:s6], [sflag:s4] =	dma.local [hbm:s3], $0xF7A  }
0x26: {  	[smem:$0x3F97] =	sst s1;
	(tag) =	ssettag s2;
	_ =	strace s9  }
0x27: {  	s1 =	sld [smem:$0x3FA7]  }
0x28: {  	s2 =	sld [smem:$0x3FA8]  }
0x29: {  	s4 =	sld [smem:$0x3FAA]  }
0x2a: {  	p0 =	seq.s32 s5, $0x0;
	s5 =	sld [smem:$0x3FAB]  }
0x2b: {  	s6 =	sld [smem:$0x3FAC]  }
0x2c: {  	s7 =	sld [smem:$0x3FAD]  }
0x2d: {  	s3 =	simm.s32 $0x108;
	s8 =	sld [smem:$0x3FAE]  }
0x2e: {  	s3 =	simm.s32 @!p0 $0x1082;
	s9 =	sld [smem:$0x3FAF]  }
0x2f: {  	lr =	sadd.s32 s0, s3;
	s0 =	sld [smem:$0x3FA6]  }
0x30: {  	s3 =	sld [smem:$0x3FA9]  }
0x31: {  	[smem:$0x3FB2] =	sst s10  }
0x32: {  	s10 =	sld [smem:$0x3FB0];
	_ =	sdelay $0x3  }
0x33: {  	p0 =	seq.s32 s10, $0x1;
	s10 =	sld [smem:$0x3FB2];
	_ =	sdelay $0x3  }
0x34: {  	[smem:$0x3FB2] =	sst s10  }
0x35: {  	s10 =	sld [smem:$0x3FB1];
	_ =	sdelay $0x3  }
0x36: {  	p1 =	seq.s32 s10, $0x1;
	s10 =	sld [smem:$0x3FB2];
	_ =	sdelay $0x3  }
0x37: {  	[smem:$0x3FB2] =	sst s10  }
0x38: {  	s10 =	sld [smem:$0x3FB3]  }
0x39: {  	_ = 	snop;
	(pc) =	sbr.ind lr, $3  }
0x3a: {  	_ = 	snop  }
0x3b: {  	_ = 	snop  }
0x3c: {  	p2 =	seq.s32 s10, $0x1;
	s10 =	sld [smem:$0x3FB2]  }
0x3d: {  	_ =	shalt  }
0x3e: {  	_ =	shalt  }
0x3f: {  	_ =	shalt  }
0x40: {  	_ =	shalt  }
0x41: {  	_ =	shalt  }
0x42: {  	_ =	shalt  }
0x43: {  	_ =	shalt  }
0x44: {  	_ =	shalt  }
0x45: {  	_ =	shalt  }
0x46: {  	_ =	shalt  }
0x47: {  	_ =	shalt  }
0x48: {  	_ =	shalt  }
0x49: {  	_ =	shalt  }
0x4a: {  	_ =	shalt  }
0x4b: {  	_ =	shalt  }
0x4c: {  	_ =	shalt  }
0x4d: {  	_ =	shalt  }
0x4e: {  	_ =	shalt  }
0x4f: {  	_ =	shalt  }
0x50: {  	_ =	shalt  }
0x51: {  	_ =	shalt  }
0x52: {  	_ =	shalt  }
0x53: {  	_ =	shalt  }
0x54: {  	_ =	shalt  }
0x55: {  	_ =	shalt  }
0x56: {  	_ =	shalt  }
0x57: {  	_ =	shalt  }
0x58: {  	_ =	shalt  }
0x59: {  	_ =	shalt  }
0x5a: {  	_ =	shalt  }
0x5b: {  	_ =	shalt  }
0x5c: {  	_ =	shalt  }
0x5d: {  	_ =	shalt  }
0x5e: {  	_ =	shalt  }
0x5f: {  	_ =	shalt  }
0x60: {  	_ =	shalt  }
0x61: {  	_ =	shalt  }
0x62: {  	_ =	shalt  }
0x63: {  	_ =	shalt  }
0x64: {  	_ =	shalt  }
0x65: {  	_ =	shalt  }
0x66: {  	_ =	shalt  }
0x67: {  	_ =	shalt  }
0x68: {  	_ =	shalt  }
0x69: {  	_ =	shalt  }
0x6a: {  	_ =	shalt  }
0x6b: {  	_ =	shalt  }
0x6c: {  	_ =	shalt  }
0x6d: {  	_ =	shalt  }
0x6e: {  	_ =	shalt  }
0x6f: {  	_ =	shalt  }
0x70: {  	_ =	shalt  }
0x71: {  	_ =	shalt  }
0x72: {  	_ =	shalt  }
0x73: {  	_ =	shalt  }
0x74: {  	_ =	shalt  }
0x75: {  	_ =	shalt  }
0x76: {  	_ =	shalt  }
0x77: {  	_ =	shalt  }
0x78: {  	_ =	shalt  }
0x79: {  	_ =	shalt  }
0x7a: {  	_ =	shalt  }
0x7b: {  	_ =	shalt  }
0x7c: {  	_ =	shalt  }
0x7d: {  	_ =	shalt  }
0x7e: {  	_ =	shalt  }
0x7f: {  	_ =	shalt  }
0x80: {  	_ =	shalt  }
0x81: {  	_ =	shalt  }
0x82: {  	_ =	shalt  }
0x83: {  	_ =	shalt  }
0x84: {  	_ =	shalt  }
0x85: {  	_ =	shalt  }
0x86: {  	_ =	shalt  }
0x87: {  	_ =	shalt  }
.Lfunc_end0:
.L_simem_size_0:
called_computation_lowered:
.L_overlay_start_0:
0x88: {  	s2 =	sld [smem:$0x3FD9]  }
0x89: {  	s3 =	sld [smem:$0x3FFE];
	_ =	sdelay $0x1  }
0x8a: {  	s1 =	srdreg.scid  }
0x8b: {  	s0 =	sand.u32 $0x1, s1  }
0x8c: {  	s17 =	sshll.u32 s0, $0xA;
	s2 =	sadd.s32 s3, s2  }
0x8d: {  	s2 =	sadd.s32 s2, s17  }
0x8e: {  	[smem:$0x3FBE] =	sst s2  }
0x8f: {  	_ = 	snop  }
0x90: {  	s2 =	sld [smem:$0x3FC9];
	(tm) =	ssettm $0x1  }
0x91: {  	s18 =	sld [smem:$0x3FFB];
	_ =	sdelay $0x3  }
0x92: {  	_ =	strace s18  }
0x93: {  	s3 =	sld [smem:$0x3FFC];
	_ =	sdelay $0x3  }
0x94: {  	_ =	strace s3  }
0x95: {  	s3 =	sld [smem:$0x3FFD];
	_ =	sdelay $0x3  }
0x96: {  	_ =	strace s3  }
0x97: {  	_ =	strace $0x8FFFFFFF  }
0x98: {  	s19 =	sld [smem:$0x3FDB];
	_ =	sdelay $0x1  }
0x99: {  	s4 =	simm.s32 $_scs_section_size  }
0x9a: {  	s5 =	simm.s32 $_size__tile_overlayer_lowered;
	s6 =	simm.s32 $_tile_overlayer_lowered  }
0x9b: {  	s22 =	simm.s32 $0x1BFF;
	s21 =	sshll.u32 s6, $0x1;
	s3 =	sadd.s32 s4, s19  }
0x9c: {  	s7 =	simm.s32 $0x0;
	s20 =	sshll.u32 s5, $0x1;
	s5 =	sadd.s32 s21, s3  }
0x9d: {  	[timem:s7], [sflag:s22] =	dma.local [hbm:s5], s20  }
0x9e: {  	_ =	swait.ge [sflag:s22], s20  }
0x9f: {  	s4 =	ssub.s32 $0x0, s20;
	[sflag:s22] =	ssyncset.done $0x0  }
0xa0: {  	[sflag:s22] =	ssyncadd.s32 s4;
	_ =	sdelay $0x1  }
0xa1: {  	s23 =	simm.s32 $0x1B8B  }
0xa2: {  	_ =	swait.ge [sflag:s23], $0x1  }
0xa3: {  	[sflag:s23] =	ssyncset.done $0x0  }
0xa4: {  	s25 =	simm.s32 $0x1B8E;
	s24 =	sld [smem:$0x3FFE];
	[sflag:s23] =	ssyncadd.s32 $0xFFFFFFFF  }
0xa5: {  	s26 =	simm.s32 $execute0_lowered;
	[smem:$0x3FD2] =	sst s25  }
0xa6: {  	s5 =	sshll.u32 s26, $0x1;
	_ =	strace $0x80000046;
	[dreg:$0x1] =	wrdreg $0xFFFFFFFF  }
0xa7: {  	s28 =	simm.s32 $_size_execute0_lowered;
	s3 =	sadd.s32 s3, s5;
	[dreg:$0x0] =	wrdreg $0x0  }
0xa8: {  	s5 =	sshll.u32 s28, $0x1;
	[dreg:$0x2] =	wrdreg s3  }
0xa9: {  	[dreg:$0x3] =	wrdreg s5  }
0xaa: {  	[dreg:$0x4] =	wrdreg $0xC0  }
0xab: {  	_ =	task [dreg:s7], $0x5FFFF  }
0xac: {  	[dreg:$0x1] =	wrdreg $0xFFFFFFFF  }
0xad: {  	[dreg:$0x0] =	wrdreg $0x60  }
0xae: {  	[dreg:$0x2] =	wrdreg s2  }
0xaf: {  	[dreg:$0x3] =	wrdreg s24  }
0xb0: {  	[dreg:$0x4] =	wrdreg $0x9  }
0xb1: {  	_ =	task.clear_ibuf [dreg:s7], $0x5FFFF;
	_ =	strace $0x90000046  }
0xb2: {  	s29 =	simm.s32 $0x9;
	_ =	strace $0x80000048  }
0xb3: {  	_ =	swait.ge [sflag:s29], $0x1  }
0xb4: {  	[sflag:s29] =	ssyncadd.s32 $0xFFFFFFFF  }
0xb5: {  	_ =	strace $0x90000048  }
0xb6: {  	_ =	sfence  }
0xb7: {  	s30 =	sld [smem:$0x0];
	_ =	sdelay $0x2  }
0xb8: {  	s31 =	sshll.u32 s1, $0xD;
	s1 =	sshrl.u32 s1, $0x2  }
0xb9: {  	s3 =	sand.u32 $0x4000, s31;
	s1 =	sadd.s32 s1, s30  }
0xba: {  	s0 =	sor.u32 s3, s0;
	s1 =	sshll.u32 s1, $0x11  }
0xbb: {  	s0 =	sor.u32 s1, s0  }
0xbc: {  	s0 =	sadd.s32 $0x8F2B, s0  }
0xbd: {  	[sflag:s0] =	ssyncadd.remote.s32 $0x1  }
0xbe: {  	_ =	sfence.sel $0xFFFF  }
0xbf: {  	[dreg:$0x0] =	wrdreg $0xFFFFFFFF;
	(pc) =	sbr.abs _section_cstart, $3  }
0xc0: {  	[dreg:$0x1] =	wrdreg $0xFFFFFFFF  }
0xc1: {  	_ =	task.clear_ibuf [dreg:s7], $0x2FFFF;
	_ =	strace $0x9FFFFFFF  }
0xc2: {  	(tm) =	ssettm $0x7FFFFFFF  }
0xc3: {  	_ =	shalt  }
tec
execute0_lowered:
.L_overlay_start_1:
0x0: {  	(tag) =	ssettag $0x1  }
0x1: {  	s1 =	srdreg.scid  }
0x2: {  	s3 =	rddreg [dreg:$0x0];
	s0 =	stileid.u32  }
0x3: {  	s5 =	rddreg [dreg:$0x1];
	s2 =	simm.s32 $0x0;
	s8 =	simm.s32 $0x80  }
0x4: {  	s26 =	simm.s32 $0x880;
	s9 =	simm.s32 $0x1080;
	s10 =	simm.s32 $0x1880  }
0x5: {  	s11 =	simm.s32 $0x2080;
	s12 =	simm.s32 $0x2880;
	s13 =	simm.s32 $0x3080  }
0x6: {  	s14 =	simm.s32 $0x3880;
	s15 =	simm.s32 $0x4080;
	s16 =	simm.s32 $0x4880  }
0x7: {  	s17 =	simm.s32 $0x5080;
	s18 =	simm.s32 $0x5880;
	s19 =	simm.s32 $0x6080  }
0x8: {  	s20 =	simm.s32 $0x6880;
	s21 =	simm.s32 $0x7080;
	s22 =	simm.s32 $0x7880  }
0x9: {  	s23 =	simm.s32 $0x8080;
	s24 =	simm.s32 $0x8880;
	s25 =	simm.s32 $0x9080  }
0xa: {  	s28 =	simm.s32 $0xA080;
	s29 =	simm.s32 $0xA880;
	s30 =	simm.s32 $0xB080  }
0xb: {  	s31 =	simm.s32 $0xB880;
	s1 =	sand.u32 $0x1, s1;
	[smem:$0x7FF] =	sst s2  }
0xc: {  	s4 =	sshll.u32 s0, $0x4;
	s6 =	sshll.u32 s1, $0x3;
	_ =	strace $0x80000047  }
0xd: {  	s1 =	ssub.s32 $0x2, s1;
	[dreg:$0x5] =	wrdreg s26;
	s4 =	sor.u32 s6, s4  }
0xe: {  	s7 =	sshrl.u32 s1, $0x1;
	s6 =	sadd.s32 s4, s5;
	s4 =	smul.u32 $0x300, s4  }
0xf: {  	s26 =	simm.s32 $0x9880;
	s1 =	ssub.s32 s1, s7;
	s6 =	sadd.s32 $0x200, s6  }
0x10: {  	v2 =	vlaneseq.u32;
	s7 =	simm.s32 $0x2;
	[dreg:$0x3] =	wrdreg s6;
	s4 =	sadd.s32 s3, s4  }
0x11: {  	vm0 =	vmmov $0xffff;
	v1 =	vshrl.u32 v2, $0x3;
	s3 =	sadd.s32 $0x400, s5;
	s6 =	smax.u32 s1, $0x1;
	s1 =	simm.s32 $0x1  }
0x12: {  	v0 =	vand.u32 $0x7, v2;
	v2 =	vor.u32 $0x8, v2;
	v1 =	vmul.u32 $0x8, v1;
	[dreg:$0x4] =	wrdreg s4;
	s4 =	sadd.s32 $0x500, s5;
	s5 =	sadd.s32 $0x600, s5  }
.LBB2_1:
0x13: {  	s0 =	rddreg [dreg:$0x3]  }
0x14: {  	[tilespmem:s2], [sflag:$0x2] =	stream.linear.gather [hbm4b:s0+s2], $0x40, $0x38;
	[tilespmem:$0xC080] =	vst v63  }
0x15: {  	_ =	swait.ge [sflag:s7], $0x40  }
0x16: {  	[sflag:s7] =	ssyncset.done $0x0  }
0x17: {  	s0 =	rddreg [dreg:$0x4];
	[sflag:s7] =	ssyncadd.s32 $0xFFFFFFC0  }
0x18: {  	[tilespmem:s8], [sflag:$0x2] =	stream.linear.gather [hbm4b:s0+s2], $0xC000, $0x38;
	[tilespmem:$0xC080] =	vst v63  }
0x19: {  	_ =	swait.ge [sflag:s7], $0xC000  }
0x1a: {  	[sflag:s7] =	ssyncset.done $0x0  }
0x1b: {  	[sflag:s7] =	ssyncadd.s32 $0xFFFF4000  }
0x1c: {  	v3 =	vld [tilespmem:$0x0];
	_ =	sdelay $0x4  }
0x1d: {  	v4 =	vshrl.u32 v3, $0x3  }
0x1e: {  	v4 =	vmul.u32 $0x30, v4  }
0x1f: {  	v3 =	vand.u32 $0x7, v3  }
0x20: {  	v3 =	vor.u32 v3, v4  }
0x21: {  	v4 =	vperm.xlane v3, v0;
	_ =	sdelay $0x1  }
0x22: {  	v4 =	vadd.s32 v1, v4;
	_ =	sdelay $0x3  }
0x23: {  	v3 =	vperm.xlane v3, v2  }
0x24: {  	[hbm4b:s3+s2] =	stream.indirect_vreg.scatter [tilespmem:s8], [sflag:$0x1], $0x80, v4, vm0, $0xb8;
	[tilespmem:$0xC080] =	vst v63  }
0x25: {  	s0 =	rddreg [dreg:$0x5];
	v3 =	vadd.s32 v1, v3  }
0x26: {  	[hbm4b:s4+s2] =	stream.indirect_vreg.scatter [tilespmem:s0], [sflag:$0x1], $0x80, v4, vm0, $0xb8;
	[tilespmem:$0xC080] =	vst v63  }
0x27: {  	_ = 	snop  }
0x28: {  	[hbm4b:s5+s2] =	stream.indirect_vreg.scatter [tilespmem:s9], [sflag:$0x1], $0x80, v4, vm0, $0xb8;
	[tilespmem:$0xC080] =	vst v63  }
0x29: {  	_ = 	snop  }
0x2a: {  	[hbm4b:s3+s2] =	stream.indirect_vreg.scatter [tilespmem:s10], [sflag:$0x1], $0x80, v3, vm0, $0xb8;
	[tilespmem:$0xC080] =	vst v63  }
0x2b: {  	_ = 	snop  }
0x2c: {  	[hbm4b:s4+s2] =	stream.indirect_vreg.scatter [tilespmem:s11], [sflag:$0x1], $0x80, v3, vm0, $0xb8;
	[tilespmem:$0xC080] =	vst v63  }
0x2d: {  	_ = 	snop  }
0x2e: {  	[hbm4b:s5+s2] =	stream.indirect_vreg.scatter [tilespmem:s12], [sflag:$0x1], $0x80, v3, vm0, $0xb8;
	[tilespmem:$0xC080] =	vst v63  }
0x2f: {  	v3 =	vld [tilespmem:$0x10];
	_ =	sdelay $0x4  }
0x30: {  	v61 =	vshrl.u32 v3, $0x3  }
0x31: {  	v4 =	vmul.u32 $0x30, v61  }
0x32: {  	v3 =	vand.u32 $0x7, v3  }
0x33: {  	v3 =	vor.u32 v3, v4  }
0x34: {  	v4 =	vperm.xlane v3, v0;
	_ =	sdelay $0x1  }
0x35: {  	v4 =	vadd.s32 v1, v4;
	_ =	sdelay $0x3  }
0x36: {  	v3 =	vperm.xlane v3, v2  }
0x37: {  	[hbm4b:s3+s2] =	stream.indirect_vreg.scatter [tilespmem:s13], [sflag:$0x1], $0x80, v4, vm0, $0xb8;
	[tilespmem:$0xC080] =	vst v63  }
0x38: {  	v3 =	vadd.s32 v1, v3  }
0x39: {  	[hbm4b:s4+s2] =	stream.indirect_vreg.scatter [tilespmem:s14], [sflag:$0x1], $0x80, v4, vm0, $0xb8;
	[tilespmem:$0xC080] =	vst v63  }
0x3a: {  	_ = 	snop  }
0x3b: {  	[hbm4b:s5+s2] =	stream.indirect_vreg.scatter [tilespmem:s15], [sflag:$0x1], $0x80, v4, vm0, $0xb8;
	[tilespmem:$0xC080] =	vst v63  }
0x3c: {  	_ = 	snop  }
0x3d: {  	[hbm4b:s3+s2] =	stream.indirect_vreg.scatter [tilespmem:s16], [sflag:$0x1], $0x80, v3, vm0, $0xb8;
	[tilespmem:$0xC080] =	vst v63  }
0x3e: {  	_ = 	snop  }
0x3f: {  	[hbm4b:s4+s2] =	stream.indirect_vreg.scatter [tilespmem:s17], [sflag:$0x1], $0x80, v3, vm0, $0xb8;
	[tilespmem:$0xC080] =	vst v63  }
0x40: {  	_ = 	snop  }
0x41: {  	[hbm4b:s5+s2] =	stream.indirect_vreg.scatter [tilespmem:s18], [sflag:$0x1], $0x80, v3, vm0, $0xb8;
	[tilespmem:$0xC080] =	vst v63  }
0x42: {  	v3 =	vld [tilespmem:$0x20];
	_ =	sdelay $0x4  }
0x43: {  	v62 =	vshrl.u32 v3, $0x3  }
0x44: {  	v4 =	vmul.u32 $0x30, v62  }
0x45: {  	v3 =	vand.u32 $0x7, v3  }
0x46: {  	v3 =	vor.u32 v3, v4  }
0x47: {  	v4 =	vperm.xlane v3, v0;
	_ =	sdelay $0x1  }
0x48: {  	v4 =	vadd.s32 v1, v4;
	_ =	sdelay $0x3  }
0x49: {  	v3 =	vperm.xlane v3, v2  }
0x4a: {  	[hbm4b:s3+s2] =	stream.indirect_vreg.scatter [tilespmem:s19], [sflag:$0x1], $0x80, v4, vm0, $0xb8;
	[tilespmem:$0xC080] =	vst v63  }
0x4b: {  	v3 =	vadd.s32 v1, v3  }
0x4c: {  	[hbm4b:s4+s2] =	stream.indirect_vreg.scatter [tilespmem:s20], [sflag:$0x1], $0x80, v4, vm0, $0xb8;
	[tilespmem:$0xC080] =	vst v63  }
0x4d: {  	_ = 	snop  }
0x4e: {  	[hbm4b:s5+s2] =	stream.indirect_vreg.scatter [tilespmem:s21], [sflag:$0x1], $0x80, v4, vm0, $0xb8;
	[tilespmem:$0xC080] =	vst v63  }
0x4f: {  	_ = 	snop  }
0x50: {  	[hbm4b:s3+s2] =	stream.indirect_vreg.scatter [tilespmem:s22], [sflag:$0x1], $0x80, v3, vm0, $0xb8;
	[tilespmem:$0xC080] =	vst v63  }
0x51: {  	_ = 	snop  }
0x52: {  	[hbm4b:s4+s2] =	stream.indirect_vreg.scatter [tilespmem:s23], [sflag:$0x1], $0x80, v3, vm0, $0xb8;
	[tilespmem:$0xC080] =	vst v63  }
0x53: {  	_ = 	snop  }
0x54: {  	[hbm4b:s5+s2] =	stream.indirect_vreg.scatter [tilespmem:s24], [sflag:$0x1], $0x80, v3, vm0, $0xb8;
	[tilespmem:$0xC080] =	vst v63  }
0x55: {  	v3 =	vld [tilespmem:$0x30];
	_ =	sdelay $0x4  }
0x56: {  	v63 =	vshrl.u32 v3, $0x3  }
0x57: {  	v4 =	vmul.u32 $0x30, v63  }
0x58: {  	v3 =	vand.u32 $0x7, v3  }
0x59: {  	v3 =	vor.u32 v3, v4  }
0x5a: {  	v4 =	vperm.xlane v3, v0;
	_ =	sdelay $0x1  }
0x5b: {  	v4 =	vadd.s32 v1, v4;
	_ =	sdelay $0x3  }
0x5c: {  	v3 =	vperm.xlane v3, v2  }
0x5d: {  	[hbm4b:s3+s2] =	stream.indirect_vreg.scatter [tilespmem:s25], [sflag:$0x1], $0x80, v4, vm0, $0xb8;
	[tilespmem:$0xC080] =	vst v63  }
0x5e: {  	v3 =	vadd.s32 v1, v3  }
0x5f: {  	[hbm4b:s4+s2] =	stream.indirect_vreg.scatter [tilespmem:s26], [sflag:$0x1], $0x80, v4, vm0, $0xb8;
	[tilespmem:$0xC080] =	vst v63  }
0x60: {  	_ = 	snop  }
0x61: {  	[hbm4b:s5+s2] =	stream.indirect_vreg.scatter [tilespmem:s28], [sflag:$0x1], $0x80, v4, vm0, $0xb8;
	[tilespmem:$0xC080] =	vst v63  }
0x62: {  	_ = 	snop  }
0x63: {  	[hbm4b:s3+s2] =	stream.indirect_vreg.scatter [tilespmem:s29], [sflag:$0x1], $0x80, v3, vm0, $0xb8;
	[tilespmem:$0xC080] =	vst v63  }
0x64: {  	p0 =	sne.s32 s6, $0x1  }
0x65: {  	[hbm4b:s4+s2] =	stream.indirect_vreg.scatter [tilespmem:s30], [sflag:$0x1], $0x80, v3, vm0, $0xb8;
	[tilespmem:$0xC080] =	vst v63  }
.Ltmp0:
0x66: {  	_ = 	snop;
	(pc) =	sbr.rel @p0 .LBB2_1-.Ltmp0, $4  }
0x67: {  	[hbm4b:s5+s2] =	stream.indirect_vreg.scatter [tilespmem:s31], [sflag:$0x1], $0x80, v3, vm0, $0xb8;
	[tilespmem:$0xC080] =	vst v63  }
0x68: {  	_ =	swait.ge [sflag:s1], $0xC000  }
0x69: {  	[sflag:s1] =	ssyncset.done $0x0  }
0x6a: {  	s6 =	sadd.s32 $0xFFFFFFFF, s6;
	[sflag:s1] =	ssyncadd.s32 $0xFFFF4000  }
0x6b: {  	_ =	sfence.sel $0x180000  }
0x6c: {  	[bflag:$0x0] =	sbarrier.arrive $0xFFFF  }
0x6d: {  	_ =	strace $0x90000047  }
0x6e: {  	s0 =	stileid.u32;
	[bflag:$0x2] =	sbarrier.arrive $0xFFFF  }
0x6f: {  	p0 =	sne.s32 s0, $0x0;
	s0 =	rddreg [dreg:$0x2]  }
0x70: {  	s0 =	sadd.s32 @!p0 $0x100000, s0  }
0x71: {  	[sflag:s0] =	ssyncadd.tile.s32 @!p0 $0x1;
	_ =	shalt  }
.Lfunc_end2:
_tile_overlayer_lowered:
.L_overlay_start_2:
0x72: {  	(tag) =	ssettag $0x2  }
0x73: {  	s0 =	rddreg [dreg:$0x0];
	s2 =	stileid.u32  }
0x74: {  	s1 =	rddreg [dreg:$0x1];
	p0 =	sne.s32 s2, $0x0  }
0x75: {  	s3 =	rddreg [dreg:$0x2];
	[bflag:$0x3] =	sbarrier.arrive $0xFFFF;
	s2 =	simm.s32 @!p0 $0x1C02  }
0x76: {  	[timem:s3], [sflag:s2] =	dma.local @!p0 [hbm:s0], s1  }
0x77: {  	s0 =	simm.s32 @!p0 $0x2  }
0x78: {  	_ =	swait.ge @!p0 [sflag:s0], s1  }
0x79: {  	s1 =	ssub.s32 @!p0 $0x0, s1;
	[sflag:s0] =	ssyncset.done @!p0 $0x0  }
0x7a: {  	[sflag:s0] =	ssyncadd.s32 @!p0 s1  }
0x7b: {  	[bflag:$0x3] =	sbarrier.arrive $0xFFFF  }
0x7c: {  	_ =	shalt  }

// kernel: kernel.9.cloned.1.call-start
scs
__scs_entry_jumppad:
0x0: {  	(pc) =	sbr.rel $0x88, $3  }
0x1: {  	(tag) =	ssettag $0x0;
	lr =	simm.s32 $0x1  }
0x2: {  	[smem:$0x3F97] =	sst lr;
	_ =	strace $0xD0000000  }
0x3: {  	_ = 	snop  }
0x4: {  	_ = 	snop  }
0x5: {  	_ = 	snop  }
0x6: {  	_ = 	snop  }
0x7: {  	_ = 	snop  }
__scs_overlays_trampoline_lowered:
0x8: {  	[smem:$0x3FA6] =	sst s0  }
0x9: {  	[smem:$0x3FA7] =	sst s1  }
0xa: {  	[smem:$0x3FA8] =	sst s2  }
0xb: {  	[smem:$0x3FA9] =	sst s3  }
0xc: {  	[smem:$0x3FAA] =	sst s4  }
0xd: {  	[smem:$0x3FAB] =	sst s5  }
0xe: {  	[smem:$0x3FAC] =	sst s6  }
0xf: {  	[smem:$0x3FAD] =	sst s7  }
0x10: {  	[smem:$0x3FAE] =	sst s8  }
0x11: {  	[smem:$0x3FAF] =	sst s9;
	s0 =	simm.s32 @!p0 $0x0  }
0x12: {  	s1 =	sld [smem:$0x3F95];
	s0 =	simm.s32 @p0 $0x1  }
0x13: {  	[smem:$0x3FB0] =	sst s0;
	s0 =	simm.s32 @!p1 $0x0  }
0x14: {  	s2 =	sld [smem:$0x3F94];
	s0 =	simm.s32 @p1 $0x1  }
0x15: {  	[smem:$0x3FB1] =	sst s0;
	s0 =	simm.s32 @!p2 $0x0  }
0x16: {  	s3 =	sld [smem:$0x3FDB];
	s0 =	simm.s32 @p2 $0x1  }
0x17: {  	s4 =	simm.s32 $0x1BF5;
	[smem:$0x3FB3] =	sst s0  }
0x18: {  	s0 =	sld [smem:$0x3F96];
	_ =	swait.ge [sflag:s4], $0x0  }
0x19: {  	s7 =	sld [smem:$0x3F97]  }
0x1a: {  	s8 =	sadd.s32 $0xFFFFE003, lr  }
0x1b: {  	s9 =	sadd.s32 $0xFFFFFEF7, lr;
	s5 =	simm.s32 $0xFFFFFFFF;
	p2 =	slt.u32 s8, $0xFFFFF086  }
0x1c: {  	p1 =	slt.u32 s9, $0xF7A;
	s5 =	simm.s32 @!p2 $0x0  }
0x1d: {  	s5 =	simm.s32 @p1 $0x1;
	p0 =	seq.s32 s7, s2  }
0x1e: {  	s7 =	smul.u32 @!p0 $0xF7A, s2;
	p2 =	seq.s32 @!p0 s5, $0x0  }
0x1f: {  	s9 =	smul.u32 $0xF7A, s1;
	s8 =	simm.s32 @!p0 $0x1BF5;
	p2 =	por !p2, p0  }
0x20: {  	[sflag:s8] =	ssyncset.s32 @!p0 $0xFFFFF086;
	s6 =	sadd.s32 @!p0 s3, s7;
	s7 =	simm.s32 @!p0 $0x108  }
0x21: {  	s3 =	sadd.s32 s3, s9;
	s6 =	sadd.s32 @!p0 $0x88, s6;
	s7 =	simm.s32 @p2 $0x1082  }
0x22: {  	[simem:s7], [sflag:s8] =	dma.local @!p0 [hbm:s6], $0xF7A  }
0x23: {  	s9 =	sor.u32 $0xD0000000, s2;
	s6 =	simm.s32 $0x108;
	_ =	swait.ge @!p0 [sflag:s8], $0x0  }
0x24: {  	s3 =	sadd.s32 $0x88, s3;
	s6 =	simm.s32 @!p1 $0x1082;
	[sflag:s4] =	ssyncset.s32 $0xFFFFF086  }
0x25: {  	[simem:s6], [sflag:s4] =	dma.local [hbm:s3], $0xF7A  }
0x26: {  	[smem:$0x3F97] =	sst s1;
	(tag) =	ssettag s2;
	_ =	strace s9  }
0x27: {  	s1 =	sld [smem:$0x3FA7]  }
0x28: {  	s2 =	sld [smem:$0x3FA8]  }
0x29: {  	s4 =	sld [smem:$0x3FAA]  }
0x2a: {  	p0 =	seq.s32 s5, $0x0;
	s5 =	sld [smem:$0x3FAB]  }
0x2b: {  	s6 =	sld [smem:$0x3FAC]  }
0x2c: {  	s7 =	sld [smem:$0x3FAD]  }
0x2d: {  	s3 =	simm.s32 $0x108;
	s8 =	sld [smem:$0x3FAE]  }
0x2e: {  	s3 =	simm.s32 @!p0 $0x1082;
	s9 =	sld [smem:$0x3FAF]  }
0x2f: {  	lr =	sadd.s32 s0, s3;
	s0 =	sld [smem:$0x3FA6]  }
0x30: {  	s3 =	sld [smem:$0x3FA9]  }
0x31: {  	[smem:$0x3FB2] =	sst s10  }
0x32: {  	s10 =	sld [smem:$0x3FB0];
	_ =	sdelay $0x3  }
0x33: {  	p0 =	seq.s32 s10, $0x1;
	s10 =	sld [smem:$0x3FB2];
	_ =	sdelay $0x3  }
0x34: {  	[smem:$0x3FB2] =	sst s10  }
0x35: {  	s10 =	sld [smem:$0x3FB1];
	_ =	sdelay $0x3  }
0x36: {  	p1 =	seq.s32 s10, $0x1;
	s10 =	sld [smem:$0x3FB2];
	_ =	sdelay $0x3  }
0x37: {  	[smem:$0x3FB2] =	sst s10  }
0x38: {  	s10 =	sld [smem:$0x3FB3]  }
0x39: {  	_ = 	snop;
	(pc) =	sbr.ind lr, $3  }
0x3a: {  	_ = 	snop  }
0x3b: {  	_ = 	snop  }
0x3c: {  	p2 =	seq.s32 s10, $0x1;
	s10 =	sld [smem:$0x3FB2]  }
0x3d: {  	_ =	shalt  }
0x3e: {  	_ =	shalt  }
0x3f: {  	_ =	shalt  }
0x40: {  	_ =	shalt  }
0x41: {  	_ =	shalt  }
0x42: {  	_ =	shalt  }
0x43: {  	_ =	shalt  }
0x44: {  	_ =	shalt  }
0x45: {  	_ =	shalt  }
0x46: {  	_ =	shalt  }
0x47: {  	_ =	shalt  }
0x48: {  	_ =	shalt  }
0x49: {  	_ =	shalt  }
0x4a: {  	_ =	shalt  }
0x4b: {  	_ =	shalt  }
0x4c: {  	_ =	shalt  }
0x4d: {  	_ =	shalt  }
0x4e: {  	_ =	shalt  }
0x4f: {  	_ =	shalt  }
0x50: {  	_ =	shalt  }
0x51: {  	_ =	shalt  }
0x52: {  	_ =	shalt  }
0x53: {  	_ =	shalt  }
0x54: {  	_ =	shalt  }
0x55: {  	_ =	shalt  }
0x56: {  	_ =	shalt  }
0x57: {  	_ =	shalt  }
0x58: {  	_ =	shalt  }
0x59: {  	_ =	shalt  }
0x5a: {  	_ =	shalt  }
0x5b: {  	_ =	shalt  }
0x5c: {  	_ =	shalt  }
0x5d: {  	_ =	shalt  }
0x5e: {  	_ =	shalt  }
0x5f: {  	_ =	shalt  }
0x60: {  	_ =	shalt  }
0x61: {  	_ =	shalt  }
0x62: {  	_ =	shalt  }
0x63: {  	_ =	shalt  }
0x64: {  	_ =	shalt  }
0x65: {  	_ =	shalt  }
0x66: {  	_ =	shalt  }
0x67: {  	_ =	shalt  }
0x68: {  	_ =	shalt  }
0x69: {  	_ =	shalt  }
0x6a: {  	_ =	shalt  }
0x6b: {  	_ =	shalt  }
0x6c: {  	_ =	shalt  }
0x6d: {  	_ =	shalt  }
0x6e: {  	_ =	shalt  }
0x6f: {  	_ =	shalt  }
0x70: {  	_ =	shalt  }
0x71: {  	_ =	shalt  }
0x72: {  	_ =	shalt  }
0x73: {  	_ =	shalt  }
0x74: {  	_ =	shalt  }
0x75: {  	_ =	shalt  }
0x76: {  	_ =	shalt  }
0x77: {  	_ =	shalt  }
0x78: {  	_ =	shalt  }
0x79: {  	_ =	shalt  }
0x7a: {  	_ =	shalt  }
0x7b: {  	_ =	shalt  }
0x7c: {  	_ =	shalt  }
0x7d: {  	_ =	shalt  }
0x7e: {  	_ =	shalt  }
0x7f: {  	_ =	shalt  }
0x80: {  	_ =	shalt  }
0x81: {  	_ =	shalt  }
0x82: {  	_ =	shalt  }
0x83: {  	_ =	shalt  }
0x84: {  	_ =	shalt  }
0x85: {  	_ =	shalt  }
0x86: {  	_ =	shalt  }
0x87: {  	_ =	shalt  }
.Lfunc_end0:
.L_simem_size_0:
called_computation.1_lowered:
.L_overlay_start_0:
0x88: {  	s2 =	sld [smem:$0x3FD9]  }
0x89: {  	s3 =	sld [smem:$0x3FFE];
	_ =	sdelay $0x1  }
0x8a: {  	s1 =	srdreg.scid  }
0x8b: {  	s0 =	sand.u32 $0x1, s1  }
0x8c: {  	s17 =	sshll.u32 s0, $0xA;
	s2 =	sadd.s32 s3, s2  }
0x8d: {  	s2 =	sadd.s32 s2, s17  }
0x8e: {  	[smem:$0x3FBE] =	sst s2  }
0x8f: {  	_ = 	snop  }
0x90: {  	s2 =	sld [smem:$0x3FD0];
	(tm) =	ssettm $0x1  }
0x91: {  	s18 =	sld [smem:$0x3FFB];
	_ =	sdelay $0x3  }
0x92: {  	_ =	strace s18  }
0x93: {  	s3 =	sld [smem:$0x3FFC];
	_ =	sdelay $0x3  }
0x94: {  	_ =	strace s3  }
0x95: {  	s3 =	sld [smem:$0x3FFD];
	_ =	sdelay $0x3  }
0x96: {  	_ =	strace s3  }
0x97: {  	_ =	strace $0x8FFFFFFF  }
0x98: {  	s19 =	sld [smem:$0x3FDB];
	_ =	sdelay $0x1  }
0x99: {  	s4 =	simm.s32 $_scs_section_size  }
0x9a: {  	s5 =	simm.s32 $_size__tile_overlayer_lowered;
	s6 =	simm.s32 $_tile_overlayer_lowered  }
0x9b: {  	s22 =	simm.s32 $0x1BFF;
	s21 =	sshll.u32 s6, $0x1;
	s3 =	sadd.s32 s4, s19  }
0x9c: {  	s7 =	simm.s32 $0x0;
	s20 =	sshll.u32 s5, $0x1;
	s5 =	sadd.s32 s21, s3  }
0x9d: {  	[timem:s7], [sflag:s22] =	dma.local [hbm:s5], s20  }
0x9e: {  	_ =	swait.ge [sflag:s22], s20  }
0x9f: {  	s4 =	ssub.s32 $0x0, s20;
	[sflag:s22] =	ssyncset.done $0x0  }
0xa0: {  	[sflag:s22] =	ssyncadd.s32 s4;
	_ =	sdelay $0x1  }
0xa1: {  	s23 =	simm.s32 $0x1B8B  }
0xa2: {  	_ =	swait.ge [sflag:s23], $0x1  }
0xa3: {  	[sflag:s23] =	ssyncset.done $0x0  }
0xa4: {  	s25 =	simm.s32 $0x1B8E;
	s24 =	sld [smem:$0x3FFE];
	[sflag:s23] =	ssyncadd.s32 $0xFFFFFFFF  }
0xa5: {  	s26 =	simm.s32 $execute0_lowered;
	[smem:$0x3FD2] =	sst s25  }
0xa6: {  	s5 =	sshll.u32 s26, $0x1;
	_ =	strace $0x80000049;
	[dreg:$0x1] =	wrdreg $0xFFFFFFFF  }
0xa7: {  	s28 =	simm.s32 $_size_execute0_lowered;
	s3 =	sadd.s32 s3, s5;
	[dreg:$0x0] =	wrdreg $0x0  }
0xa8: {  	s5 =	sshll.u32 s28, $0x1;
	[dreg:$0x2] =	wrdreg s3  }
0xa9: {  	[dreg:$0x3] =	wrdreg s5  }
0xaa: {  	[dreg:$0x4] =	wrdreg $0xC0  }
0xab: {  	_ =	task [dreg:s7], $0x5FFFF  }
0xac: {  	[dreg:$0x1] =	wrdreg $0xFFFFFFFF  }
0xad: {  	[dreg:$0x0] =	wrdreg $0x60  }
0xae: {  	[dreg:$0x2] =	wrdreg s24  }
0xaf: {  	[dreg:$0x3] =	wrdreg s2  }
0xb0: {  	[dreg:$0x4] =	wrdreg $0x9  }
0xb1: {  	_ =	task.clear_ibuf [dreg:s7], $0x5FFFF;
	_ =	strace $0x90000049  }
0xb2: {  	s29 =	simm.s32 $0x9;
	_ =	strace $0x8000004B  }
0xb3: {  	_ =	swait.ge [sflag:s29], $0x1  }
0xb4: {  	[sflag:s29] =	ssyncadd.s32 $0xFFFFFFFF  }
0xb5: {  	_ =	strace $0x9000004B  }
0xb6: {  	_ =	sfence  }
0xb7: {  	s30 =	sld [smem:$0x0];
	_ =	sdelay $0x2  }
0xb8: {  	s31 =	sshll.u32 s1, $0xD;
	s1 =	sshrl.u32 s1, $0x2  }
0xb9: {  	s3 =	sand.u32 $0x4000, s31;
	s1 =	sadd.s32 s1, s30  }
0xba: {  	s0 =	sor.u32 s3, s0;
	s1 =	sshll.u32 s1, $0x11  }
0xbb: {  	s0 =	sor.u32 s1, s0  }
0xbc: {  	s0 =	sadd.s32 $0x8F2B, s0  }
0xbd: {  	[sflag:s0] =	ssyncadd.remote.s32 $0x1  }
0xbe: {  	_ =	sfence.sel $0xFFFF  }
0xbf: {  	[dreg:$0x0] =	wrdreg $0xFFFFFFFF;
	(pc) =	sbr.abs _section_cstart, $3  }
0xc0: {  	[dreg:$0x1] =	wrdreg $0xFFFFFFFF  }
0xc1: {  	_ =	task.clear_ibuf [dreg:s7], $0x2FFFF;
	_ =	strace $0x9FFFFFFF  }
0xc2: {  	(tm) =	ssettm $0x7FFFFFFF  }
0xc3: {  	_ =	shalt  }
tec
execute0_lowered:
.L_overlay_start_1:
0x0: {  	(tag) =	ssettag $0x1  }
0x1: {  	s0 =	rddreg [dreg:$0x0]  }
0x2: {  	s5 =	rddreg [dreg:$0x1];
	s3 =	srdreg.scid  }
0x3: {  	s2 =	simm.s32 $0x0;
	s1 =	stileid.u32;
	s26 =	simm.s32 $0x880  }
0x4: {  	s10 =	simm.s32 $0x1880;
	s11 =	simm.s32 $0x2080;
	s12 =	simm.s32 $0x2880  }
0x5: {  	s13 =	simm.s32 $0x3080;
	s14 =	simm.s32 $0x3880;
	s15 =	simm.s32 $0x4080  }
0x6: {  	s16 =	simm.s32 $0x4880;
	s17 =	simm.s32 $0x5080;
	s18 =	simm.s32 $0x5880  }
0x7: {  	s19 =	simm.s32 $0x6080;
	s20 =	simm.s32 $0x6880;
	s21 =	simm.s32 $0x7080  }
0x8: {  	s22 =	simm.s32 $0x7880;
	s28 =	simm.s32 $0xA080;
	s29 =	simm.s32 $0xA880  }
0x9: {  	s30 =	simm.s32 $0xB080;
	s31 =	simm.s32 $0xB880;
	s3 =	sand.u32 $0x1, s3  }
0xa: {  	[smem:$0x7FF] =	sst s2;
	s4 =	sshll.u32 s1, $0x4;
	s6 =	sshll.u32 s3, $0x3  }
0xb: {  	_ =	strace $0x8000004A;
	s23 =	ssub.s32 $0x2, s3;
	s3 =	sadd.s32 $0x90400, s0  }
0xc: {  	[dreg:$0x5] =	wrdreg s26;
	s26 =	simm.s32 $0x9880;
	s4 =	sor.u32 s6, s4  }
0xd: {  	s8 =	sshrl.u32 s23, $0x1;
	s7 =	sadd.s32 s4, s0;
	s9 =	smul.u32 $0x300, s4  }
0xe: {  	s6 =	ssub.s32 s23, s8;
	s4 =	sadd.s32 $0x90500, s0;
	s8 =	simm.s32 $0x80  }
0xf: {  	s23 =	simm.s32 $0x8080;
	s24 =	sadd.s32 $0x200, s7;
	s6 =	smax.u32 s6, $0x1  }
0x10: {  	v2 =	vlaneseq.u32;
	s7 =	simm.s32 $0x2;
	[dreg:$0x3] =	wrdreg s24;
	s25 =	sadd.s32 s5, s9  }
0x11: {  	vm0 =	vmmov $0xffff;
	v1 =	vshrl.u32 v2, $0x3;
	s5 =	sadd.s32 $0x90600, s0;
	s9 =	simm.s32 $0x1080;
	s24 =	simm.s32 $0x8880  }
0x12: {  	v0 =	vand.u32 $0x7, v2;
	v2 =	vor.u32 $0x8, v2;
	v1 =	vmul.u32 $0x8, v1;
	s0 =	simm.s32 $0x1;
	[dreg:$0x4] =	wrdreg s25;
	s25 =	simm.s32 $0x9080  }
.LBB2_1:
0x13: {  	s1 =	rddreg [dreg:$0x3]  }
0x14: {  	[tilespmem:s2], [sflag:$0x2] =	stream.linear.gather [hbm4b:s1+s2], $0x40, $0x38;
	[tilespmem:$0xC080] =	vst v63  }
0x15: {  	_ =	swait.ge [sflag:s7], $0x40  }
0x16: {  	[sflag:s7] =	ssyncset.done $0x0  }
0x17: {  	[sflag:s7] =	ssyncadd.s32 $0xFFFFFFC0  }
0x18: {  	v3 =	vld [tilespmem:$0x0];
	_ =	sdelay $0x4  }
0x19: {  	v4 =	vshrl.u32 v3, $0x3  }
0x1a: {  	v4 =	vmul.u32 $0x30, v4  }
0x1b: {  	v3 =	vand.u32 $0x7, v3  }
0x1c: {  	v3 =	vor.u32 v3, v4  }
0x1d: {  	v4 =	vperm.xlane v3, v0;
	_ =	sdelay $0x1  }
0x1e: {  	v4 =	vadd.s32 v1, v4;
	_ =	sdelay $0x3  }
0x1f: {  	v3 =	vperm.xlane v3, v2  }
0x20: {  	[tilespmem:s8], [sflag:$0x1] =	stream.indirect_vreg.gather [hbm4b:s3+s2], $0x80, v4, vm0, $0xb8;
	[tilespmem:$0xC080] =	vst v63  }
0x21: {  	s1 =	rddreg [dreg:$0x5];
	v3 =	vadd.s32 v1, v3  }
0x22: {  	[tilespmem:s1], [sflag:$0x1] =	stream.indirect_vreg.gather [hbm4b:s4+s2], $0x80, v4, vm0, $0xb8;
	[tilespmem:$0xC080] =	vst v63  }
0x23: {  	_ = 	snop  }
0x24: {  	[tilespmem:s9], [sflag:$0x1] =	stream.indirect_vreg.gather [hbm4b:s5+s2], $0x80, v4, vm0, $0xb8;
	[tilespmem:$0xC080] =	vst v63  }
0x25: {  	_ = 	snop  }
0x26: {  	[tilespmem:s10], [sflag:$0x1] =	stream.indirect_vreg.gather [hbm4b:s3+s2], $0x80, v3, vm0, $0xb8;
	[tilespmem:$0xC080] =	vst v63  }
0x27: {  	_ = 	snop  }
0x28: {  	[tilespmem:s11], [sflag:$0x1] =	stream.indirect_vreg.gather [hbm4b:s4+s2], $0x80, v3, vm0, $0xb8;
	[tilespmem:$0xC080] =	vst v63  }
0x29: {  	_ = 	snop  }
0x2a: {  	[tilespmem:s12], [sflag:$0x1] =	stream.indirect_vreg.gather [hbm4b:s5+s2], $0x80, v3, vm0, $0xb8;
	[tilespmem:$0xC080] =	vst v63  }
0x2b: {  	v3 =	vld [tilespmem:$0x10];
	_ =	sdelay $0x4  }
0x2c: {  	v61 =	vshrl.u32 v3, $0x3  }
0x2d: {  	v4 =	vmul.u32 $0x30, v61  }
0x2e: {  	v3 =	vand.u32 $0x7, v3  }
0x2f: {  	v3 =	vor.u32 v3, v4  }
0x30: {  	v4 =	vperm.xlane v3, v0;
	_ =	sdelay $0x1  }
0x31: {  	v4 =	vadd.s32 v1, v4;
	_ =	sdelay $0x3  }
0x32: {  	v3 =	vperm.xlane v3, v2  }
0x33: {  	[tilespmem:s13], [sflag:$0x1] =	stream.indirect_vreg.gather [hbm4b:s3+s2], $0x80, v4, vm0, $0xb8;
	[tilespmem:$0xC080] =	vst v63  }
0x34: {  	v3 =	vadd.s32 v1, v3  }
0x35: {  	[tilespmem:s14], [sflag:$0x1] =	stream.indirect_vreg.gather [hbm4b:s4+s2], $0x80, v4, vm0, $0xb8;
	[tilespmem:$0xC080] =	vst v63  }
0x36: {  	_ = 	snop  }
0x37: {  	[tilespmem:s15], [sflag:$0x1] =	stream.indirect_vreg.gather [hbm4b:s5+s2], $0x80, v4, vm0, $0xb8;
	[tilespmem:$0xC080] =	vst v63  }
0x38: {  	_ = 	snop  }
0x39: {  	[tilespmem:s16], [sflag:$0x1] =	stream.indirect_vreg.gather [hbm4b:s3+s2], $0x80, v3, vm0, $0xb8;
	[tilespmem:$0xC080] =	vst v63  }
0x3a: {  	_ = 	snop  }
0x3b: {  	[tilespmem:s17], [sflag:$0x1] =	stream.indirect_vreg.gather [hbm4b:s4+s2], $0x80, v3, vm0, $0xb8;
	[tilespmem:$0xC080] =	vst v63  }
0x3c: {  	_ = 	snop  }
0x3d: {  	[tilespmem:s18], [sflag:$0x1] =	stream.indirect_vreg.gather [hbm4b:s5+s2], $0x80, v3, vm0, $0xb8;
	[tilespmem:$0xC080] =	vst v63  }
0x3e: {  	v3 =	vld [tilespmem:$0x20];
	_ =	sdelay $0x4  }
0x3f: {  	v62 =	vshrl.u32 v3, $0x3  }
0x40: {  	v4 =	vmul.u32 $0x30, v62  }
0x41: {  	v3 =	vand.u32 $0x7, v3  }
0x42: {  	v3 =	vor.u32 v3, v4  }
0x43: {  	v4 =	vperm.xlane v3, v0;
	_ =	sdelay $0x1  }
0x44: {  	v4 =	vadd.s32 v1, v4;
	_ =	sdelay $0x3  }
0x45: {  	v3 =	vperm.xlane v3, v2  }
0x46: {  	[tilespmem:s19], [sflag:$0x1] =	stream.indirect_vreg.gather [hbm4b:s3+s2], $0x80, v4, vm0, $0xb8;
	[tilespmem:$0xC080] =	vst v63  }
0x47: {  	v3 =	vadd.s32 v1, v3  }
0x48: {  	[tilespmem:s20], [sflag:$0x1] =	stream.indirect_vreg.gather [hbm4b:s4+s2], $0x80, v4, vm0, $0xb8;
	[tilespmem:$0xC080] =	vst v63  }
0x49: {  	_ = 	snop  }
0x4a: {  	[tilespmem:s21], [sflag:$0x1] =	stream.indirect_vreg.gather [hbm4b:s5+s2], $0x80, v4, vm0, $0xb8;
	[tilespmem:$0xC080] =	vst v63  }
0x4b: {  	_ = 	snop  }
0x4c: {  	[tilespmem:s22], [sflag:$0x1] =	stream.indirect_vreg.gather [hbm4b:s3+s2], $0x80, v3, vm0, $0xb8;
	[tilespmem:$0xC080] =	vst v63  }
0x4d: {  	_ = 	snop  }
0x4e: {  	[tilespmem:s23], [sflag:$0x1] =	stream.indirect_vreg.gather [hbm4b:s4+s2], $0x80, v3, vm0, $0xb8;
	[tilespmem:$0xC080] =	vst v63  }
0x4f: {  	_ = 	snop  }
0x50: {  	[tilespmem:s24], [sflag:$0x1] =	stream.indirect_vreg.gather [hbm4b:s5+s2], $0x80, v3, vm0, $0xb8;
	[tilespmem:$0xC080] =	vst v63  }
0x51: {  	v3 =	vld [tilespmem:$0x30];
	_ =	sdelay $0x4  }
0x52: {  	v63 =	vshrl.u32 v3, $0x3  }
0x53: {  	v4 =	vmul.u32 $0x30, v63  }
0x54: {  	v3 =	vand.u32 $0x7, v3  }
0x55: {  	v3 =	vor.u32 v3, v4  }
0x56: {  	v4 =	vperm.xlane v3, v0;
	_ =	sdelay $0x1  }
0x57: {  	v4 =	vadd.s32 v1, v4;
	_ =	sdelay $0x3  }
0x58: {  	v3 =	vperm.xlane v3, v2  }
0x59: {  	[tilespmem:s25], [sflag:$0x1] =	stream.indirect_vreg.gather [hbm4b:s3+s2], $0x80, v4, vm0, $0xb8;
	[tilespmem:$0xC080] =	vst v63  }
0x5a: {  	v3 =	vadd.s32 v1, v3  }
0x5b: {  	[tilespmem:s26], [sflag:$0x1] =	stream.indirect_vreg.gather [hbm4b:s4+s2], $0x80, v4, vm0, $0xb8;
	[tilespmem:$0xC080] =	vst v63  }
0x5c: {  	_ = 	snop  }
0x5d: {  	[tilespmem:s28], [sflag:$0x1] =	stream.indirect_vreg.gather [hbm4b:s5+s2], $0x80, v4, vm0, $0xb8;
	[tilespmem:$0xC080] =	vst v63  }
0x5e: {  	_ = 	snop  }
0x5f: {  	[tilespmem:s29], [sflag:$0x1] =	stream.indirect_vreg.gather [hbm4b:s3+s2], $0x80, v3, vm0, $0xb8;
	[tilespmem:$0xC080] =	vst v63  }
0x60: {  	_ = 	snop  }
0x61: {  	[tilespmem:s30], [sflag:$0x1] =	stream.indirect_vreg.gather [hbm4b:s4+s2], $0x80, v3, vm0, $0xb8;
	[tilespmem:$0xC080] =	vst v63  }
0x62: {  	_ = 	snop  }
0x63: {  	[tilespmem:s31], [sflag:$0x1] =	stream.indirect_vreg.gather [hbm4b:s5+s2], $0x80, v3, vm0, $0xb8;
	[tilespmem:$0xC080] =	vst v63  }
0x64: {  	_ =	swait.ge [sflag:s0], $0xC000  }
0x65: {  	p0 =	sne.s32 s6, $0x1;
	[sflag:s0] =	ssyncset.done $0x0  }
.Ltmp0:
0x66: {  	s1 =	rddreg [dreg:$0x4];
	[sflag:s0] =	ssyncadd.s32 $0xFFFF4000;
	(pc) =	sbr.rel @p0 .LBB2_1-.Ltmp0, $4  }
0x67: {  	[hbm4b:s1+s2] =	stream.linear.scatter [tilespmem:s8], [sflag:$0x2], $0xC000, $0x38;
	[tilespmem:$0xC080] =	vst v63  }
0x68: {  	_ =	swait.ge [sflag:s7], $0xC000  }
0x69: {  	[sflag:s7] =	ssyncset.done $0x0  }
0x6a: {  	s6 =	sadd.s32 $0xFFFFFFFF, s6;
	[sflag:s7] =	ssyncadd.s32 $0xFFFF4000  }
0x6b: {  	_ =	sfence.sel $0x180000  }
0x6c: {  	[bflag:$0x0] =	sbarrier.arrive $0xFFFF  }
0x6d: {  	_ =	strace $0x9000004A  }
0x6e: {  	s0 =	stileid.u32;
	[bflag:$0x2] =	sbarrier.arrive $0xFFFF  }
0x6f: {  	p0 =	sne.s32 s0, $0x0;
	s0 =	rddreg [dreg:$0x2]  }
0x70: {  	s0 =	sadd.s32 @!p0 $0x100000, s0  }
0x71: {  	[sflag:s0] =	ssyncadd.tile.s32 @!p0 $0x1;
	_ =	shalt  }
.Lfunc_end2:
_tile_overlayer_lowered:
.L_overlay_start_2:
0x72: {  	(tag) =	ssettag $0x2  }
0x73: {  	s0 =	rddreg [dreg:$0x0];
	s2 =	stileid.u32  }
0x74: {  	s1 =	rddreg [dreg:$0x1];
	p0 =	sne.s32 s2, $0x0  }
0x75: {  	s3 =	rddreg [dreg:$0x2];
	[bflag:$0x3] =	sbarrier.arrive $0xFFFF;
	s2 =	simm.s32 @!p0 $0x1C02  }
0x76: {  	[timem:s3], [sflag:s2] =	dma.local @!p0 [hbm:s0], s1  }
0x77: {  	s0 =	simm.s32 @!p0 $0x2  }
0x78: {  	_ =	swait.ge @!p0 [sflag:s0], s1  }
0x79: {  	s1 =	ssub.s32 @!p0 $0x0, s1;
	[sflag:s0] =	ssyncset.done @!p0 $0x0  }
0x7a: {  	[sflag:s0] =	ssyncadd.s32 @!p0 s1  }
0x7b: {  	[bflag:$0x3] =	sbarrier.arrive $0xFFFF  }
0x7c: {  	_ =	shalt  }

</sc_bundles>
